<compile_context>
chip_gen: v7x
topology: tpu7x:2x2x1
jax: 0.10.2.dev20260603
libtpu: 0.0.44.dev20260713+nightly
codegen_flags: <defaults>
</compile_context>

<pallas_src>
import functools

import jax
import jax.numpy as jnp
from jax import lax
from jax.experimental import pallas as pl
from jax.experimental.pallas import tpu as pltpu
from jax.experimental.pallas import tpu_sc as plsc

FEAT = 128
HP = 10000
N = HP + 1
E = 320000
N_PAD = 10240
DUMP = N_PAD - 8
NC, NS = 2, 16
NW = NC * NS
E_W = E // NW
CH = 128
NCH = 80
DEPTH = 2
E_WPAD = CH * NCH
HALVES = 2
NCHH = NCH // HALVES
ROWS_T = N_PAD // NS
DEGW = FEAT

_MESH = plsc.VectorSubcoreMesh(core_axis_name="c", subcore_axis_name="s")



@functools.partial(
    pl.kernel,
    out_type=jax.ShapeDtypeStruct((NC * N_PAD, FEAT), jnp.float32),
    mesh=_MESH,
    scratch_types=[
        pltpu.VMEM((NCHH, CH), jnp.int32),
        pltpu.VMEM((NCHH, CH), jnp.int32),
        [pltpu.VMEM((CH, FEAT), jnp.float32)] * DEPTH,
        [pltpu.SemaphoreType.DMA] * DEPTH,
        pltpu.VMEM_SHARED((N_PAD, FEAT), jnp.float32),
    ],
)
def _sc_propagate(table_h, src_h, dst_h, zeros_h, out_h,
                  src_v, dst_v, rows, sems, acc):
    cid = lax.axis_index("c")
    sid = lax.axis_index("s")
    wid = cid * NS + sid
    pltpu.sync_copy(zeros_h.at[pl.ds(sid * ROWS_T, ROWS_T)],
                    acc.at[pl.ds(sid * ROWS_T, ROWS_T)])
    plsc.subcore_barrier()

    for h in range(HALVES):
        pltpu.sync_copy(src_h.at[HALVES * wid + h], src_v)
        pltpu.sync_copy(dst_h.at[HALVES * wid + h], dst_v)

        for d in range(DEPTH - 1):
            pltpu.async_copy(table_h.at[src_v.at[d]], rows[d], sems[d])

        @pl.loop(0, NCHH, step=DEPTH)
        def _(j):
            for d in range(DEPTH):
                nxt = j + d + DEPTH - 1
                nbuf = (d + DEPTH - 1) % DEPTH

                @pl.when(nxt < NCHH)
                def _():
                    pltpu.async_copy(
                        table_h.at[src_v.at[nxt]], rows[nbuf], sems[nbuf])

                pltpu.make_async_copy(
                    table_h.at[src_v.at[j + d]], rows[d], sems[d]).wait()
                pltpu.sync_copy(rows[d], acc.at[dst_v.at[j + d]], add=True)

    plsc.subcore_barrier()
    pltpu.sync_copy(acc.at[pl.ds(sid * ROWS_T, ROWS_T)],
                    out_h.at[pl.ds(cid * N_PAD + sid * ROWS_T, ROWS_T)])


@functools.partial(
    pl.kernel,
    out_type=jax.ShapeDtypeStruct((NC * N_PAD, DEGW), jnp.float32),
    mesh=_MESH,
    scratch_types=[
        pltpu.VMEM((NCHH, CH), jnp.int32),
        pltpu.VMEM((CH, DEGW), jnp.float32),
        pltpu.VMEM_SHARED((N_PAD, DEGW), jnp.float32),
    ],
)
def _sc_degree(dst_h, ones_h, zeros_h, out_h, dst_v, ones_v, acc):
    cid = lax.axis_index("c")
    sid = lax.axis_index("s")
    wid = cid * NS + sid
    pltpu.sync_copy(zeros_h.at[pl.ds(sid * ROWS_T, ROWS_T)],
                    acc.at[pl.ds(sid * ROWS_T, ROWS_T)])
    pltpu.sync_copy(ones_h, ones_v)
    plsc.subcore_barrier()

    for h in range(HALVES):
        pltpu.sync_copy(dst_h.at[HALVES * wid + h], dst_v)

        @pl.loop(0, NCHH)
        def _(j):
            pltpu.sync_copy(ones_v, acc.at[dst_v.at[j]], add=True)

    plsc.subcore_barrier()
    pltpu.sync_copy(acc.at[pl.ds(sid * ROWS_T, ROWS_T)],
                    out_h.at[pl.ds(cid * N_PAD + sid * ROWS_T, ROWS_T)])



BS = 2048
NBLK = N_PAD // BS


def _row_ids(pid):
    return pid * BS + lax.broadcasted_iota(jnp.int32, (BS, 1), 0)


def _tc_prep_body(x_r, dega_r, degb_r, y1_r, self1_r, dinv_r, star_r):
    pid = pl.program_id(0)
    rid = _row_ids(pid)
    deg = 1.0 + dega_r[:, :1] + degb_r[:, :1]
    deg = deg + jnp.where(rid == HP, float(HP), 0.0)
    dinv = lax.rsqrt(deg)
    x = x_r[...]
    y1 = x * dinv
    y1_r[...] = y1
    self1_r[...] = x * (dinv * dinv)
    dinv_r[...] = jnp.broadcast_to(dinv, (BS, 8))
    part = jnp.sum(jnp.where(rid < HP, y1, 0.0), axis=0, keepdims=True)

    @pl.when(pid == 0)
    def _():
        star_r[...] = jnp.zeros_like(star_r)

    star_r[...] += jnp.broadcast_to(part, (8, FEAT))


_tc_prep = pl.pallas_call(
    _tc_prep_body,
    grid=(NBLK,),
    in_specs=[
        pl.BlockSpec((BS, FEAT), lambda i: (i, 0)),
        pl.BlockSpec((BS, DEGW), lambda i: (i, 0)),
        pl.BlockSpec((BS, DEGW), lambda i: (i, 0)),
    ],
    out_specs=[
        pl.BlockSpec((BS, FEAT), lambda i: (i, 0)),
        pl.BlockSpec((BS, FEAT), lambda i: (i, 0)),
        pl.BlockSpec((BS, 8), lambda i: (i, 0)),
        pl.BlockSpec((8, FEAT), lambda i: (0, 0)),
    ],
    out_shape=[
        jax.ShapeDtypeStruct((N_PAD, FEAT), jnp.float32),
        jax.ShapeDtypeStruct((N_PAD, FEAT), jnp.float32),
        jax.ShapeDtypeStruct((N_PAD, 8), jnp.float32),
        jax.ShapeDtypeStruct((8, FEAT), jnp.float32),
    ],
)


def _tc_mid_body(p1a_r, p1b_r, self1_r, dinv_r, star1_r, w1_r, b1_r,
                 y2_r, self2_r, star2_r):
    pid = pl.program_id(0)
    rid = _row_ids(pid)
    p1 = p1a_r[...] + p1b_r[...]
    p1 = p1 + jnp.where(rid == HP, 1.0, 0.0) * star1_r[0:1, :]
    dinv = dinv_r[:, :1]
    agg = dinv * p1 + self1_r[...]
    h = jnp.dot(agg, w1_r[...], preferred_element_type=jnp.float32)
    h = jnp.maximum(h + b1_r[0:1, :], 0.0)
    y2 = h * dinv
    y2_r[...] = y2
    self2_r[...] = h * (dinv * dinv)
    part = jnp.sum(jnp.where(rid < HP, y2, 0.0), axis=0, keepdims=True)

    @pl.when(pid == 0)
    def _():
        star2_r[...] = jnp.zeros_like(star2_r)

    star2_r[...] += jnp.broadcast_to(part, (8, FEAT))


_tc_mid = pl.pallas_call(
    _tc_mid_body,
    grid=(NBLK,),
    in_specs=[
        pl.BlockSpec((BS, FEAT), lambda i: (i, 0)),
        pl.BlockSpec((BS, FEAT), lambda i: (i, 0)),
        pl.BlockSpec((BS, FEAT), lambda i: (i, 0)),
        pl.BlockSpec((BS, 8), lambda i: (i, 0)),
        pl.BlockSpec((8, FEAT), lambda i: (0, 0)),
        pl.BlockSpec((FEAT, FEAT), lambda i: (0, 0)),
        pl.BlockSpec((8, FEAT), lambda i: (0, 0)),
    ],
    out_specs=[
        pl.BlockSpec((BS, FEAT), lambda i: (i, 0)),
        pl.BlockSpec((BS, FEAT), lambda i: (i, 0)),
        pl.BlockSpec((8, FEAT), lambda i: (0, 0)),
    ],
    out_shape=[
        jax.ShapeDtypeStruct((N_PAD, FEAT), jnp.float32),
        jax.ShapeDtypeStruct((N_PAD, FEAT), jnp.float32),
        jax.ShapeDtypeStruct((8, FEAT), jnp.float32),
    ],
)


def _tc_final_body(p2a_r, p2b_r, self2_r, dinv_r, star2_r,
                   w2a_r, b2a_r, w2b_r, b2b_r, mu_r, ls_r):
    pid = pl.program_id(0)
    rid = _row_ids(pid)
    p2 = p2a_r[...] + p2b_r[...]
    p2 = p2 + jnp.where(rid == HP, 1.0, 0.0) * star2_r[0:1, :]
    agg = dinv_r[:, :1] * p2 + self2_r[...]
    mu_r[...] = jnp.dot(agg, w2a_r[...],
                        preferred_element_type=jnp.float32) + b2a_r[0:1, :]
    ls_r[...] = jnp.dot(agg, w2b_r[...],
                        preferred_element_type=jnp.float32) + b2b_r[0:1, :]


_tc_final = pl.pallas_call(
    _tc_final_body,
    grid=(NBLK,),
    in_specs=[
        pl.BlockSpec((BS, FEAT), lambda i: (i, 0)),
        pl.BlockSpec((BS, FEAT), lambda i: (i, 0)),
        pl.BlockSpec((BS, FEAT), lambda i: (i, 0)),
        pl.BlockSpec((BS, 8), lambda i: (i, 0)),
        pl.BlockSpec((8, FEAT), lambda i: (0, 0)),
        pl.BlockSpec((FEAT, FEAT), lambda i: (0, 0)),
        pl.BlockSpec((8, FEAT), lambda i: (0, 0)),
        pl.BlockSpec((FEAT, FEAT), lambda i: (0, 0)),
        pl.BlockSpec((8, FEAT), lambda i: (0, 0)),
    ],
    out_specs=[
        pl.BlockSpec((BS, FEAT), lambda i: (i, 0)),
        pl.BlockSpec((BS, FEAT), lambda i: (i, 0)),
    ],
    out_shape=[
        jax.ShapeDtypeStruct((N_PAD, FEAT), jnp.float32),
        jax.ShapeDtypeStruct((N_PAD, FEAT), jnp.float32),
    ],
)



def kernel(x, edge, ind, W1, b1, W2a, b2a, W2b, b2b):
    ei = lax.dynamic_index_in_dim(edge, ind, 0, keepdims=False)
    src = ei[0].astype(jnp.int32).reshape(NW, E_W)
    dst = ei[1].astype(jnp.int32).reshape(NW, E_W)
    pad = E_WPAD - E_W
    src3 = jnp.concatenate(
        [src, jnp.zeros((NW, pad), jnp.int32)], axis=1).reshape(NW * HALVES, NCHH, CH)
    dst3 = jnp.concatenate(
        [dst, jnp.full((NW, pad), DUMP, jnp.int32)], axis=1).reshape(NW * HALVES, NCHH, CH)

    x_pad = jnp.pad(x, ((0, N_PAD - N), (0, 0)))
    zeros_feat = jnp.zeros((N_PAD, FEAT), jnp.float32)
    zeros8 = jnp.zeros((N_PAD, DEGW), jnp.float32)
    ones8 = jnp.ones((CH, DEGW), jnp.float32)
    b1w = jnp.broadcast_to(b1[None, :], (8, FEAT))
    b2aw = jnp.broadcast_to(b2a[None, :], (8, FEAT))
    b2bw = jnp.broadcast_to(b2b[None, :], (8, FEAT))

    degp = _sc_degree(dst3, ones8, zeros8)
    y1, self1, dinv8, star1 = _tc_prep(x_pad, degp[:N_PAD], degp[N_PAD:])
    p1 = _sc_propagate(y1, src3, dst3, zeros_feat)
    y2, self2, star2 = _tc_mid(p1[:N_PAD], p1[N_PAD:], self1, dinv8,
                               star1, W1, b1w)
    p2 = _sc_propagate(y2, src3, dst3, zeros_feat)
    mu_p, ls_p = _tc_final(p2[:N_PAD], p2[N_PAD:], self2, dinv8,
                           star2, W2a, b2aw, W2b, b2bw)
    return (mu_p[:N], ls_p[:N])

# --- scband reference (transcript-rebuilt; emitter-appended) ---
"""Pipeline reference for scband-encoder-68693706932594 (READ-ONLY COPY).

The authoritative reference and input builder live on the scoring server;
editing this copy changes nothing except your own understanding.
"""

import jax, jax.numpy as jnp
import numpy as np

FEAT_DIM = 128
HP_NUM = 10000
N_NODES = HP_NUM + 1
N_EDGES = 320000
HEAD_NUM = 4


def _glorot(key, fan_in, fan_out):
    limit = np.sqrt(6.0 / (fan_in + fan_out))
    return jax.random.uniform(key, (fan_in, fan_out), minval=-limit, maxval=limit, dtype=jnp.float32)


def setup_inputs(seed: int = 0) -> dict:
    key = jax.random.key(seed)
    ks = jax.random.split(key, 8)
    x = jax.random.normal(ks[0], (N_NODES, FEAT_DIM), dtype=jnp.float32)
    edge = jax.random.randint(ks[1], (HEAD_NUM, 2, N_EDGES), 0, HP_NUM).astype(jnp.int32)
    W1 = _glorot(ks[2], FEAT_DIM, FEAT_DIM)
    b1 = jnp.zeros((FEAT_DIM,), dtype=jnp.float32)
    W2a = _glorot(ks[3], FEAT_DIM, FEAT_DIM)
    b2a = jnp.zeros((FEAT_DIM,), dtype=jnp.float32)
    W2b = _glorot(ks[4], FEAT_DIM, FEAT_DIM)
    b2b = jnp.zeros((FEAT_DIM,), dtype=jnp.float32)
    return {"x": x, "edge": edge, "ind": 0, "W1": W1, "b1": b1, "W2a": W2a, "b2a": b2a, "W2b": W2b, "b2b": b2b}


def _gcn_conv(x, src, dst, W, b, n):
    # PyG GCNConv: x' = D^{-1/2} (A + I) D^{-1/2} X W + b  (self-loops already in src/dst)
    xw = x @ W
    deg = jnp.zeros((n,), dtype=x.dtype).at[dst].add(1.0)
    dinv = jnp.where(deg > 0, deg ** -0.5, 0.0)
    norm = dinv[src] * dinv[dst]
    msg = xw[src] * norm[:, None]
    out = jnp.zeros((n, W.shape[1]), dtype=x.dtype).at[dst].add(msg)
    return out + b


def reference(x, edge, ind, W1, b1, W2a, b2a, W2b, b2b):
    ei = edge[ind]
    # append star edges: every hyper-node 0..hp_num-1 -> virtual node hp_num
    from_all = jnp.arange(HP_NUM, dtype=ei.dtype)
    dest = jnp.full((HP_NUM,), HP_NUM, dtype=ei.dtype)
    ei = jnp.concatenate([ei, jnp.stack([from_all, dest])], axis=1)
    n = x.shape[0]
    loops = jnp.arange(n, dtype=ei.dtype)
    src = jnp.concatenate([ei[0], loops])
    dst = jnp.concatenate([ei[1], loops])
    hidden1 = jax.nn.relu(_gcn_conv(x, src, dst, W1, b1, n))
    mu = _gcn_conv(hidden1, src, dst, W2a, b2a, n)
    logstd = _gcn_conv(hidden1, src, dst, W2b, b2b, n)
    return (mu, logstd)

if __name__ == "__main__":
    import jax
    _d = setup_inputs()
    print(jax.jit(kernel)(*tuple(_d.values())))

</pallas_src>

<mosaic_0001>
#map = affine_map<(d0, d1) -> (0, 0)>
#map1 = affine_map<(d0, d1) -> (0, 0, 0)>
module attributes {stable_mosaic.version = 14 : i64} {
  func.func @_sc_propagate(%arg0: i32, %arg1: i32, %arg2: memref<10240x128xf32, #tpu.memory_space<hbm>>, %arg3: memref<64x40x128xi32, #tpu.memory_space<hbm>>, %arg4: memref<64x40x128xi32, #tpu.memory_space<hbm>>, %arg5: memref<10240x128xf32, #tpu.memory_space<hbm>>, %arg6: memref<20480x128xf32, #tpu.memory_space<hbm>>, %arg7: memref<40x128xi32, #tpu.memory_space<vmem>>, %arg8: memref<40x128xi32, #tpu.memory_space<vmem>>, %arg9: memref<128x128xf32, #tpu.memory_space<vmem>>, %arg10: memref<128x128xf32, #tpu.memory_space<vmem>>, %arg11: memref<!tpu.dma_semaphore, #tpu.memory_space<semaphore_mem>>, %arg12: memref<!tpu.dma_semaphore, #tpu.memory_space<semaphore_mem>>, %arg13: memref<10240x128xf32, #tpu.memory_space<vmem_shared>>) attributes {dimension_semantics = [#tpu.dimension_semantics<core_parallel>, #tpu.dimension_semantics<subcore_parallel>], iteration_bounds = array<i64: 2, 16>, scalar_prefetch = 0 : i64, scratch_operands = 7 : i64, tpu.core_type = #tpu.core_type<sc_vector_subcore>, window_params = [{transform_indices = #map}, {transform_indices = #map1}, {transform_indices = #map1}, {transform_indices = #map}, {transform_indices = #map}]} {
    %mul3A = arith.constant 16 : i32
    %mul3A_0 = arith.muli %arg0, %mul3A : i32
    %add3A = arith.addi %mul3A_0, %arg1 : i32
    %mul3A_1 = arith.constant 640 : i32
    %mul3A_2 = arith.muli %arg1, %mul3A_1 : i32
    %mul3A_3 = arith.constant 640 : i32
    %mul3A_4 = arith.muli %arg1, %mul3A_3 : i32
    "tpu.region"() ({
      %run_scoped3A = tpu.sem_alloc : memref<!tpu.dma_semaphore, #tpu.memory_space<semaphore_mem>>
      %dma_start3A_51 = arith.constant 0 : i32
      %dma_start3A_52 = tpu.memref_slice %arg13[%mul3A_4, %dma_start3A_51] : memref<10240x128xf32, #tpu.memory_space<vmem_shared>> -> memref<640x128xf32, #tpu.memory_space<vmem_shared>>
      %dma_start3A_53 = arith.constant 0 : i32
      %dma_start3A_54 = tpu.memref_slice %arg5[%mul3A_2, %dma_start3A_53] : memref<10240x128xf32, #tpu.memory_space<hbm>> -> memref<640x128xf32, #tpu.memory_space<hbm>>
      tpu.enqueue_dma source(%dma_start3A_54 : memref<640x128xf32, #tpu.memory_space<hbm>>) target(%dma_start3A_52 : memref<640x128xf32, #tpu.memory_space<vmem_shared>>) target_semaphore(%run_scoped3A : memref<!tpu.dma_semaphore, #tpu.memory_space<semaphore_mem>>)
      %dma_wait3A = arith.constant 0 : i32
      %dma_wait3A_55 = tpu.memref_slice %arg13[%mul3A_4, %dma_wait3A] : memref<10240x128xf32, #tpu.memory_space<vmem_shared>> -> memref<640x128xf32, #tpu.memory_space<vmem_shared>>
      %dma_wait3A_56 = arith.constant 0 : i32
      %dma_wait3A_57 = tpu.memref_slice %arg5[%mul3A_2, %dma_wait3A_56] : memref<10240x128xf32, #tpu.memory_space<hbm>> -> memref<640x128xf32, #tpu.memory_space<hbm>>
      tpu.wait_dma2 semaphore(%run_scoped3A : memref<!tpu.dma_semaphore, #tpu.memory_space<semaphore_mem>>) src(%dma_wait3A_57 : memref<640x128xf32, #tpu.memory_space<hbm>>) dst(%dma_wait3A_55 : memref<640x128xf32, #tpu.memory_space<vmem_shared>>)
      tpu.yield
    }) : () -> ()
    %barrier3A = arith.constant 0 : index
    tpu.barrier barrier_id(%barrier3A)
    %mul3A_5 = arith.constant 2 : i32
    %mul3A_6 = arith.muli %mul3A_5, %add3A : i32
    %add3A_7 = arith.constant 0 : i32
    %add3A_8 = arith.addi %mul3A_6, %add3A_7 : i32
    "tpu.region"() ({
      %run_scoped3A = tpu.sem_alloc : memref<!tpu.dma_semaphore, #tpu.memory_space<semaphore_mem>>
      %dma_start3A_51 = arith.constant 0 : i32
      %dma_start3A_52 = arith.constant 0 : i32
      %dma_start3A_53 = tpu.memref_slice %arg3[%add3A_8, %dma_start3A_51, %dma_start3A_52] : memref<64x40x128xi32, #tpu.memory_space<hbm>> -> memref<1x40x128xi32, #tpu.memory_space<hbm>>
      %dma_start3A_54 = tpu.memref_squeeze %dma_start3A_53 : memref<1x40x128xi32, #tpu.memory_space<hbm>> -> memref<40x128xi32, #tpu.memory_space<hbm>>
      %dma_start3A_55 = arith.constant 0 : i32
      %dma_start3A_56 = arith.constant 0 : i32
      %dma_start3A_57 = tpu.memref_slice %arg3[%add3A_8, %dma_start3A_55, %dma_start3A_56] : memref<64x40x128xi32, #tpu.memory_space<hbm>> -> memref<1x40x128xi32, #tpu.memory_space<hbm>>
      %dma_start3A_58 = tpu.memref_squeeze %dma_start3A_57 : memref<1x40x128xi32, #tpu.memory_space<hbm>> -> memref<40x128xi32, #tpu.memory_space<hbm>>
      tpu.enqueue_dma source(%dma_start3A_58 : memref<40x128xi32, #tpu.memory_space<hbm>>) target(%arg7 : memref<40x128xi32, #tpu.memory_space<vmem>>) target_semaphore(%run_scoped3A : memref<!tpu.dma_semaphore, #tpu.memory_space<semaphore_mem>>)
      %dma_wait3A = arith.constant 0 : i32
      %dma_wait3A_59 = arith.constant 0 : i32
      %dma_wait3A_60 = tpu.memref_slice %arg3[%add3A_8, %dma_wait3A, %dma_wait3A_59] : memref<64x40x128xi32, #tpu.memory_space<hbm>> -> memref<1x40x128xi32, #tpu.memory_space<hbm>>
      %dma_wait3A_61 = tpu.memref_squeeze %dma_wait3A_60 : memref<1x40x128xi32, #tpu.memory_space<hbm>> -> memref<40x128xi32, #tpu.memory_space<hbm>>
      %dma_wait3A_62 = arith.constant 0 : i32
      %dma_wait3A_63 = arith.constant 0 : i32
      %dma_wait3A_64 = tpu.memref_slice %arg3[%add3A_8, %dma_wait3A_62, %dma_wait3A_63] : memref<64x40x128xi32, #tpu.memory_space<hbm>> -> memref<1x40x128xi32, #tpu.memory_space<hbm>>
      %dma_wait3A_65 = tpu.memref_squeeze %dma_wait3A_64 : memref<1x40x128xi32, #tpu.memory_space<hbm>> -> memref<40x128xi32, #tpu.memory_space<hbm>>
      tpu.wait_dma2 semaphore(%run_scoped3A : memref<!tpu.dma_semaphore, #tpu.memory_space<semaphore_mem>>) src(%dma_wait3A_65 : memref<40x128xi32, #tpu.memory_space<hbm>>) dst(%arg7 : memref<40x128xi32, #tpu.memory_space<vmem>>)
      tpu.yield
    }) : () -> ()
    %mul3A_9 = arith.constant 2 : i32
    %mul3A_10 = arith.muli %mul3A_9, %add3A : i32
    %add3A_11 = arith.constant 0 : i32
    %add3A_12 = arith.addi %mul3A_10, %add3A_11 : i32
    "tpu.region"() ({
      %run_scoped3A = tpu.sem_alloc : memref<!tpu.dma_semaphore, #tpu.memory_space<semaphore_mem>>
      %dma_start3A_51 = arith.constant 0 : i32
      %dma_start3A_52 = arith.constant 0 : i32
      %dma_start3A_53 = tpu.memref_slice %arg4[%add3A_12, %dma_start3A_51, %dma_start3A_52] : memref<64x40x128xi32, #tpu.memory_space<hbm>> -> memref<1x40x128xi32, #tpu.memory_space<hbm>>
      %dma_start3A_54 = tpu.memref_squeeze %dma_start3A_53 : memref<1x40x128xi32, #tpu.memory_space<hbm>> -> memref<40x128xi32, #tpu.memory_space<hbm>>
      %dma_start3A_55 = arith.constant 0 : i32
      %dma_start3A_56 = arith.constant 0 : i32
      %dma_start3A_57 = tpu.memref_slice %arg4[%add3A_12, %dma_start3A_55, %dma_start3A_56] : memref<64x40x128xi32, #tpu.memory_space<hbm>> -> memref<1x40x128xi32, #tpu.memory_space<hbm>>
      %dma_start3A_58 = tpu.memref_squeeze %dma_start3A_57 : memref<1x40x128xi32, #tpu.memory_space<hbm>> -> memref<40x128xi32, #tpu.memory_space<hbm>>
      tpu.enqueue_dma source(%dma_start3A_58 : memref<40x128xi32, #tpu.memory_space<hbm>>) target(%arg8 : memref<40x128xi32, #tpu.memory_space<vmem>>) target_semaphore(%run_scoped3A : memref<!tpu.dma_semaphore, #tpu.memory_space<semaphore_mem>>)
      %dma_wait3A = arith.constant 0 : i32
      %dma_wait3A_59 = arith.constant 0 : i32
      %dma_wait3A_60 = tpu.memref_slice %arg4[%add3A_12, %dma_wait3A, %dma_wait3A_59] : memref<64x40x128xi32, #tpu.memory_space<hbm>> -> memref<1x40x128xi32, #tpu.memory_space<hbm>>
      %dma_wait3A_61 = tpu.memref_squeeze %dma_wait3A_60 : memref<1x40x128xi32, #tpu.memory_space<hbm>> -> memref<40x128xi32, #tpu.memory_space<hbm>>
      %dma_wait3A_62 = arith.constant 0 : i32
      %dma_wait3A_63 = arith.constant 0 : i32
      %dma_wait3A_64 = tpu.memref_slice %arg4[%add3A_12, %dma_wait3A_62, %dma_wait3A_63] : memref<64x40x128xi32, #tpu.memory_space<hbm>> -> memref<1x40x128xi32, #tpu.memory_space<hbm>>
      %dma_wait3A_65 = tpu.memref_squeeze %dma_wait3A_64 : memref<1x40x128xi32, #tpu.memory_space<hbm>> -> memref<40x128xi32, #tpu.memory_space<hbm>>
      tpu.wait_dma2 semaphore(%run_scoped3A : memref<!tpu.dma_semaphore, #tpu.memory_space<semaphore_mem>>) src(%dma_wait3A_65 : memref<40x128xi32, #tpu.memory_space<hbm>>) dst(%arg8 : memref<40x128xi32, #tpu.memory_space<vmem>>)
      tpu.yield
    }) : () -> ()
    %dma_start3A = arith.constant 0 : i32
    %dma_start3A_13 = arith.constant 0 : i32
    %dma_start3A_14 = tpu.memref_slice %arg7[%dma_start3A, %dma_start3A_13] : memref<40x128xi32, #tpu.memory_space<vmem>> -> memref<1x128xi32, #tpu.memory_space<vmem>>
    %dma_start3A_15 = tpu.memref_squeeze %dma_start3A_14 : memref<1x128xi32, #tpu.memory_space<vmem>> -> memref<128xi32, #tpu.memory_space<vmem>>
    %dma_start3A_16 = arith.constant 0 : i32
    %dma_start3A_17 = arith.constant 0 : i32
    %dma_start3A_18 = tpu.memref_slice %arg2[%dma_start3A_16, %dma_start3A_17] : memref<10240x128xf32, #tpu.memory_space<hbm>> -> memref<10240x128xf32, #tpu.memory_space<hbm>>
    tpu.enqueue_indirect_dma source(%dma_start3A_18 : memref<10240x128xf32, #tpu.memory_space<hbm>>) target(%arg9 : memref<128x128xf32, #tpu.memory_space<vmem>>) offsets(%dma_start3A_15 : memref<128xi32, #tpu.memory_space<vmem>>) semaphore(%arg11 : memref<!tpu.dma_semaphore, #tpu.memory_space<semaphore_mem>>)
    %scan3A = arith.constant 0 : i32
    %scan3A_19 = arith.constant 20 : i32
    %scan3A_20 = arith.addi %scan3A, %scan3A_19 : i32
    %scan3A_21 = arith.constant 1 : i32
    scf.for %scan3A_51 = %scan3A to %scan3A_20 step %scan3A_21  : i32 {
      %mul3A_52 = arith.constant 2 : i32
      %mul3A_53 = arith.muli %scan3A_51, %mul3A_52 : i32
      %add3A_54 = arith.constant 0 : i32
      %add3A_55 = arith.addi %add3A_54, %mul3A_53 : i32
      %add3A_56 = arith.constant 0 : i32
      %add3A_57 = arith.addi %add3A_55, %add3A_56 : i32
      %add3A_58 = arith.constant 2 : i32
      %add3A_59 = arith.addi %add3A_57, %add3A_58 : i32
      %sub3A = arith.constant 1 : i32
      %sub3A_60 = arith.subi %add3A_59, %sub3A : i32
      %lt3A = arith.constant 40 : i32
      %lt3A_61 = arith.cmpi slt, %sub3A_60, %lt3A : i32
      %convert_element_type3A = arith.extui %lt3A_61 : i1 to i32
      %cond3A = arith.constant 0 : i32
      %cond3A_62 = arith.cmpi ne, %convert_element_type3A, %cond3A : i32
      scf.if %cond3A_62 {
        %dma_start3A_93 = arith.constant 0 : i32
        %dma_start3A_94 = tpu.memref_slice %arg7[%sub3A_60, %dma_start3A_93] : memref<40x128xi32, #tpu.memory_space<vmem>> -> memref<1x128xi32, #tpu.memory_space<vmem>>
        %dma_start3A_95 = tpu.memref_squeeze %dma_start3A_94 : memref<1x128xi32, #tpu.memory_space<vmem>> -> memref<128xi32, #tpu.memory_space<vmem>>
        %dma_start3A_96 = arith.constant 0 : i32
        %dma_start3A_97 = arith.constant 0 : i32
        %dma_start3A_98 = tpu.memref_slice %arg2[%dma_start3A_96, %dma_start3A_97] : memref<10240x128xf32, #tpu.memory_space<hbm>> -> memref<10240x128xf32, #tpu.memory_space<hbm>>
        tpu.enqueue_indirect_dma source(%dma_start3A_98 : memref<10240x128xf32, #tpu.memory_space<hbm>>) target(%arg10 : memref<128x128xf32, #tpu.memory_space<vmem>>) offsets(%dma_start3A_95 : memref<128xi32, #tpu.memory_space<vmem>>) semaphore(%arg12 : memref<!tpu.dma_semaphore, #tpu.memory_space<semaphore_mem>>)
      } else {
      }
      %add3A_63 = arith.constant 0 : i32
      %add3A_64 = arith.addi %add3A_55, %add3A_63 : i32
      %dma_wait3A = arith.constant 0 : i32
      %dma_wait3A_65 = tpu.memref_slice %arg7[%add3A_64, %dma_wait3A] : memref<40x128xi32, #tpu.memory_space<vmem>> -> memref<1x128xi32, #tpu.memory_space<vmem>>
      %dma_wait3A_66 = tpu.memref_squeeze %dma_wait3A_65 : memref<1x128xi32, #tpu.memory_space<vmem>> -> memref<128xi32, #tpu.memory_space<vmem>>
      %dma_wait3A_67 = arith.constant 0 : i32
      %dma_wait3A_68 = arith.constant 0 : i32
      %dma_wait3A_69 = tpu.memref_slice %arg2[%dma_wait3A_67, %dma_wait3A_68] : memref<10240x128xf32, #tpu.memory_space<hbm>> -> memref<10240x128xf32, #tpu.memory_space<hbm>>
      tpu.wait_indirect_dma semaphore(%arg11 : memref<!tpu.dma_semaphore, #tpu.memory_space<semaphore_mem>>) src(%dma_wait3A_69 : memref<10240x128xf32, #tpu.memory_space<hbm>>) dst(%arg9 : memref<128x128xf32, #tpu.memory_space<vmem>>)
      %add3A_70 = arith.constant 0 : i32
      %add3A_71 = arith.addi %add3A_55, %add3A_70 : i32
      "tpu.region"() ({
        %run_scoped3A = tpu.sem_alloc : memref<!tpu.dma_semaphore, #tpu.memory_space<semaphore_mem>>
        %dma_start3A_93 = arith.constant 0 : i32
        %dma_start3A_94 = tpu.memref_slice %arg8[%add3A_71, %dma_start3A_93] : memref<40x128xi32, #tpu.memory_space<vmem>> -> memref<1x128xi32, #tpu.memory_space<vmem>>
        %dma_start3A_95 = tpu.memref_squeeze %dma_start3A_94 : memref<1x128xi32, #tpu.memory_space<vmem>> -> memref<128xi32, #tpu.memory_space<vmem>>
        %dma_start3A_96 = arith.constant 0 : i32
        %dma_start3A_97 = arith.constant 0 : i32
        %dma_start3A_98 = tpu.memref_slice %arg13[%dma_start3A_96, %dma_start3A_97] : memref<10240x128xf32, #tpu.memory_space<vmem_shared>> -> memref<10240x128xf32, #tpu.memory_space<vmem_shared>>
        tpu.enqueue_indirect_dma source(%arg9 : memref<128x128xf32, #tpu.memory_space<vmem>>) target(%dma_start3A_98 : memref<10240x128xf32, #tpu.memory_space<vmem_shared>>) offsets(%dma_start3A_95 : memref<128xi32, #tpu.memory_space<vmem>>) semaphore(%run_scoped3A : memref<!tpu.dma_semaphore, #tpu.memory_space<semaphore_mem>>) {add = true}
        %dma_wait3A_99 = arith.constant 0 : i32
        %dma_wait3A_100 = tpu.memref_slice %arg8[%add3A_71, %dma_wait3A_99] : memref<40x128xi32, #tpu.memory_space<vmem>> -> memref<1x128xi32, #tpu.memory_space<vmem>>
        %dma_wait3A_101 = tpu.memref_squeeze %dma_wait3A_100 : memref<1x128xi32, #tpu.memory_space<vmem>> -> memref<128xi32, #tpu.memory_space<vmem>>
        %dma_wait3A_102 = arith.constant 0 : i32
        %dma_wait3A_103 = arith.constant 0 : i32
        %dma_wait3A_104 = tpu.memref_slice %arg13[%dma_wait3A_102, %dma_wait3A_103] : memref<10240x128xf32, #tpu.memory_space<vmem_shared>> -> memref<10240x128xf32, #tpu.memory_space<vmem_shared>>
        tpu.wait_indirect_dma semaphore(%run_scoped3A : memref<!tpu.dma_semaphore, #tpu.memory_space<semaphore_mem>>) src(%arg9 : memref<128x128xf32, #tpu.memory_space<vmem>>) dst(%dma_wait3A_104 : memref<10240x128xf32, #tpu.memory_space<vmem_shared>>)
        tpu.yield
      }) : () -> ()
      %add3A_72 = arith.constant 1 : i32
      %add3A_73 = arith.addi %add3A_55, %add3A_72 : i32
      %add3A_74 = arith.constant 2 : i32
      %add3A_75 = arith.addi %add3A_73, %add3A_74 : i32
      %sub3A_76 = arith.constant 1 : i32
      %sub3A_77 = arith.subi %add3A_75, %sub3A_76 : i32
      %lt3A_78 = arith.constant 40 : i32
      %lt3A_79 = arith.cmpi slt, %sub3A_77, %lt3A_78 : i32
      %convert_element_type3A_80 = arith.extui %lt3A_79 : i1 to i32
      %cond3A_81 = arith.constant 0 : i32
      %cond3A_82 = arith.cmpi ne, %convert_element_type3A_80, %cond3A_81 : i32
      scf.if %cond3A_82 {
        %dma_start3A_93 = arith.constant 0 : i32
        %dma_start3A_94 = tpu.memref_slice %arg7[%sub3A_77, %dma_start3A_93] : memref<40x128xi32, #tpu.memory_space<vmem>> -> memref<1x128xi32, #tpu.memory_space<vmem>>
        %dma_start3A_95 = tpu.memref_squeeze %dma_start3A_94 : memref<1x128xi32, #tpu.memory_space<vmem>> -> memref<128xi32, #tpu.memory_space<vmem>>
        %dma_start3A_96 = arith.constant 0 : i32
        %dma_start3A_97 = arith.constant 0 : i32
        %dma_start3A_98 = tpu.memref_slice %arg2[%dma_start3A_96, %dma_start3A_97] : memref<10240x128xf32, #tpu.memory_space<hbm>> -> memref<10240x128xf32, #tpu.memory_space<hbm>>
        tpu.enqueue_indirect_dma source(%dma_start3A_98 : memref<10240x128xf32, #tpu.memory_space<hbm>>) target(%arg9 : memref<128x128xf32, #tpu.memory_space<vmem>>) offsets(%dma_start3A_95 : memref<128xi32, #tpu.memory_space<vmem>>) semaphore(%arg11 : memref<!tpu.dma_semaphore, #tpu.memory_space<semaphore_mem>>)
      } else {
      }
      %add3A_83 = arith.constant 1 : i32
      %add3A_84 = arith.addi %add3A_55, %add3A_83 : i32
      %dma_wait3A_85 = arith.constant 0 : i32
      %dma_wait3A_86 = tpu.memref_slice %arg7[%add3A_84, %dma_wait3A_85] : memref<40x128xi32, #tpu.memory_space<vmem>> -> memref<1x128xi32, #tpu.memory_space<vmem>>
      %dma_wait3A_87 = tpu.memref_squeeze %dma_wait3A_86 : memref<1x128xi32, #tpu.memory_space<vmem>> -> memref<128xi32, #tpu.memory_space<vmem>>
      %dma_wait3A_88 = arith.constant 0 : i32
      %dma_wait3A_89 = arith.constant 0 : i32
      %dma_wait3A_90 = tpu.memref_slice %arg2[%dma_wait3A_88, %dma_wait3A_89] : memref<10240x128xf32, #tpu.memory_space<hbm>> -> memref<10240x128xf32, #tpu.memory_space<hbm>>
      tpu.wait_indirect_dma semaphore(%arg12 : memref<!tpu.dma_semaphore, #tpu.memory_space<semaphore_mem>>) src(%dma_wait3A_90 : memref<10240x128xf32, #tpu.memory_space<hbm>>) dst(%arg10 : memref<128x128xf32, #tpu.memory_space<vmem>>)
      %add3A_91 = arith.constant 1 : i32
      %add3A_92 = arith.addi %add3A_55, %add3A_91 : i32
      "tpu.region"() ({
        %run_scoped3A = tpu.sem_alloc : memref<!tpu.dma_semaphore, #tpu.memory_space<semaphore_mem>>
        %dma_start3A_93 = arith.constant 0 : i32
        %dma_start3A_94 = tpu.memref_slice %arg8[%add3A_92, %dma_start3A_93] : memref<40x128xi32, #tpu.memory_space<vmem>> -> memref<1x128xi32, #tpu.memory_space<vmem>>
        %dma_start3A_95 = tpu.memref_squeeze %dma_start3A_94 : memref<1x128xi32, #tpu.memory_space<vmem>> -> memref<128xi32, #tpu.memory_space<vmem>>
        %dma_start3A_96 = arith.constant 0 : i32
        %dma_start3A_97 = arith.constant 0 : i32
        %dma_start3A_98 = tpu.memref_slice %arg13[%dma_start3A_96, %dma_start3A_97] : memref<10240x128xf32, #tpu.memory_space<vmem_shared>> -> memref<10240x128xf32, #tpu.memory_space<vmem_shared>>
        tpu.enqueue_indirect_dma source(%arg10 : memref<128x128xf32, #tpu.memory_space<vmem>>) target(%dma_start3A_98 : memref<10240x128xf32, #tpu.memory_space<vmem_shared>>) offsets(%dma_start3A_95 : memref<128xi32, #tpu.memory_space<vmem>>) semaphore(%run_scoped3A : memref<!tpu.dma_semaphore, #tpu.memory_space<semaphore_mem>>) {add = true}
        %dma_wait3A_99 = arith.constant 0 : i32
        %dma_wait3A_100 = tpu.memref_slice %arg8[%add3A_92, %dma_wait3A_99] : memref<40x128xi32, #tpu.memory_space<vmem>> -> memref<1x128xi32, #tpu.memory_space<vmem>>
        %dma_wait3A_101 = tpu.memref_squeeze %dma_wait3A_100 : memref<1x128xi32, #tpu.memory_space<vmem>> -> memref<128xi32, #tpu.memory_space<vmem>>
        %dma_wait3A_102 = arith.constant 0 : i32
        %dma_wait3A_103 = arith.constant 0 : i32
        %dma_wait3A_104 = tpu.memref_slice %arg13[%dma_wait3A_102, %dma_wait3A_103] : memref<10240x128xf32, #tpu.memory_space<vmem_shared>> -> memref<10240x128xf32, #tpu.memory_space<vmem_shared>>
        tpu.wait_indirect_dma semaphore(%run_scoped3A : memref<!tpu.dma_semaphore, #tpu.memory_space<semaphore_mem>>) src(%arg10 : memref<128x128xf32, #tpu.memory_space<vmem>>) dst(%dma_wait3A_104 : memref<10240x128xf32, #tpu.memory_space<vmem_shared>>)
        tpu.yield
      }) : () -> ()
    }
    %scan3A_22 = arith.constant 20 : i32
    %mul3A_23 = arith.constant 2 : i32
    %mul3A_24 = arith.muli %mul3A_23, %add3A : i32
    %add3A_25 = arith.constant 1 : i32
    %add3A_26 = arith.addi %mul3A_24, %add3A_25 : i32
    "tpu.region"() ({
      %run_scoped3A = tpu.sem_alloc : memref<!tpu.dma_semaphore, #tpu.memory_space<semaphore_mem>>
      %dma_start3A_51 = arith.constant 0 : i32
      %dma_start3A_52 = arith.constant 0 : i32
      %dma_start3A_53 = tpu.memref_slice %arg3[%add3A_26, %dma_start3A_51, %dma_start3A_52] : memref<64x40x128xi32, #tpu.memory_space<hbm>> -> memref<1x40x128xi32, #tpu.memory_space<hbm>>
      %dma_start3A_54 = tpu.memref_squeeze %dma_start3A_53 : memref<1x40x128xi32, #tpu.memory_space<hbm>> -> memref<40x128xi32, #tpu.memory_space<hbm>>
      %dma_start3A_55 = arith.constant 0 : i32
      %dma_start3A_56 = arith.constant 0 : i32
      %dma_start3A_57 = tpu.memref_slice %arg3[%add3A_26, %dma_start3A_55, %dma_start3A_56] : memref<64x40x128xi32, #tpu.memory_space<hbm>> -> memref<1x40x128xi32, #tpu.memory_space<hbm>>
      %dma_start3A_58 = tpu.memref_squeeze %dma_start3A_57 : memref<1x40x128xi32, #tpu.memory_space<hbm>> -> memref<40x128xi32, #tpu.memory_space<hbm>>
      tpu.enqueue_dma source(%dma_start3A_58 : memref<40x128xi32, #tpu.memory_space<hbm>>) target(%arg7 : memref<40x128xi32, #tpu.memory_space<vmem>>) target_semaphore(%run_scoped3A : memref<!tpu.dma_semaphore, #tpu.memory_space<semaphore_mem>>)
      %dma_wait3A = arith.constant 0 : i32
      %dma_wait3A_59 = arith.constant 0 : i32
      %dma_wait3A_60 = tpu.memref_slice %arg3[%add3A_26, %dma_wait3A, %dma_wait3A_59] : memref<64x40x128xi32, #tpu.memory_space<hbm>> -> memref<1x40x128xi32, #tpu.memory_space<hbm>>
      %dma_wait3A_61 = tpu.memref_squeeze %dma_wait3A_60 : memref<1x40x128xi32, #tpu.memory_space<hbm>> -> memref<40x128xi32, #tpu.memory_space<hbm>>
      %dma_wait3A_62 = arith.constant 0 : i32
      %dma_wait3A_63 = arith.constant 0 : i32
      %dma_wait3A_64 = tpu.memref_slice %arg3[%add3A_26, %dma_wait3A_62, %dma_wait3A_63] : memref<64x40x128xi32, #tpu.memory_space<hbm>> -> memref<1x40x128xi32, #tpu.memory_space<hbm>>
      %dma_wait3A_65 = tpu.memref_squeeze %dma_wait3A_64 : memref<1x40x128xi32, #tpu.memory_space<hbm>> -> memref<40x128xi32, #tpu.memory_space<hbm>>
      tpu.wait_dma2 semaphore(%run_scoped3A : memref<!tpu.dma_semaphore, #tpu.memory_space<semaphore_mem>>) src(%dma_wait3A_65 : memref<40x128xi32, #tpu.memory_space<hbm>>) dst(%arg7 : memref<40x128xi32, #tpu.memory_space<vmem>>)
      tpu.yield
    }) : () -> ()
    %mul3A_27 = arith.constant 2 : i32
    %mul3A_28 = arith.muli %mul3A_27, %add3A : i32
    %add3A_29 = arith.constant 1 : i32
    %add3A_30 = arith.addi %mul3A_28, %add3A_29 : i32
    "tpu.region"() ({
      %run_scoped3A = tpu.sem_alloc : memref<!tpu.dma_semaphore, #tpu.memory_space<semaphore_mem>>
      %dma_start3A_51 = arith.constant 0 : i32
      %dma_start3A_52 = arith.constant 0 : i32
      %dma_start3A_53 = tpu.memref_slice %arg4[%add3A_30, %dma_start3A_51, %dma_start3A_52] : memref<64x40x128xi32, #tpu.memory_space<hbm>> -> memref<1x40x128xi32, #tpu.memory_space<hbm>>
      %dma_start3A_54 = tpu.memref_squeeze %dma_start3A_53 : memref<1x40x128xi32, #tpu.memory_space<hbm>> -> memref<40x128xi32, #tpu.memory_space<hbm>>
      %dma_start3A_55 = arith.constant 0 : i32
      %dma_start3A_56 = arith.constant 0 : i32
      %dma_start3A_57 = tpu.memref_slice %arg4[%add3A_30, %dma_start3A_55, %dma_start3A_56] : memref<64x40x128xi32, #tpu.memory_space<hbm>> -> memref<1x40x128xi32, #tpu.memory_space<hbm>>
      %dma_start3A_58 = tpu.memref_squeeze %dma_start3A_57 : memref<1x40x128xi32, #tpu.memory_space<hbm>> -> memref<40x128xi32, #tpu.memory_space<hbm>>
      tpu.enqueue_dma source(%dma_start3A_58 : memref<40x128xi32, #tpu.memory_space<hbm>>) target(%arg8 : memref<40x128xi32, #tpu.memory_space<vmem>>) target_semaphore(%run_scoped3A : memref<!tpu.dma_semaphore, #tpu.memory_space<semaphore_mem>>)
      %dma_wait3A = arith.constant 0 : i32
      %dma_wait3A_59 = arith.constant 0 : i32
      %dma_wait3A_60 = tpu.memref_slice %arg4[%add3A_30, %dma_wait3A, %dma_wait3A_59] : memref<64x40x128xi32, #tpu.memory_space<hbm>> -> memref<1x40x128xi32, #tpu.memory_space<hbm>>
      %dma_wait3A_61 = tpu.memref_squeeze %dma_wait3A_60 : memref<1x40x128xi32, #tpu.memory_space<hbm>> -> memref<40x128xi32, #tpu.memory_space<hbm>>
      %dma_wait3A_62 = arith.constant 0 : i32
      %dma_wait3A_63 = arith.constant 0 : i32
      %dma_wait3A_64 = tpu.memref_slice %arg4[%add3A_30, %dma_wait3A_62, %dma_wait3A_63] : memref<64x40x128xi32, #tpu.memory_space<hbm>> -> memref<1x40x128xi32, #tpu.memory_space<hbm>>
      %dma_wait3A_65 = tpu.memref_squeeze %dma_wait3A_64 : memref<1x40x128xi32, #tpu.memory_space<hbm>> -> memref<40x128xi32, #tpu.memory_space<hbm>>
      tpu.wait_dma2 semaphore(%run_scoped3A : memref<!tpu.dma_semaphore, #tpu.memory_space<semaphore_mem>>) src(%dma_wait3A_65 : memref<40x128xi32, #tpu.memory_space<hbm>>) dst(%arg8 : memref<40x128xi32, #tpu.memory_space<vmem>>)
      tpu.yield
    }) : () -> ()
    %dma_start3A_31 = arith.constant 0 : i32
    %dma_start3A_32 = arith.constant 0 : i32
    %dma_start3A_33 = tpu.memref_slice %arg7[%dma_start3A_31, %dma_start3A_32] : memref<40x128xi32, #tpu.memory_space<vmem>> -> memref<1x128xi32, #tpu.memory_space<vmem>>
    %dma_start3A_34 = tpu.memref_squeeze %dma_start3A_33 : memref<1x128xi32, #tpu.memory_space<vmem>> -> memref<128xi32, #tpu.memory_space<vmem>>
    %dma_start3A_35 = arith.constant 0 : i32
    %dma_start3A_36 = arith.constant 0 : i32
    %dma_start3A_37 = tpu.memref_slice %arg2[%dma_start3A_35, %dma_start3A_36] : memref<10240x128xf32, #tpu.memory_space<hbm>> -> memref<10240x128xf32, #tpu.memory_space<hbm>>
    tpu.enqueue_indirect_dma source(%dma_start3A_37 : memref<10240x128xf32, #tpu.memory_space<hbm>>) target(%arg9 : memref<128x128xf32, #tpu.memory_space<vmem>>) offsets(%dma_start3A_34 : memref<128xi32, #tpu.memory_space<vmem>>) semaphore(%arg11 : memref<!tpu.dma_semaphore, #tpu.memory_space<semaphore_mem>>)
    %scan3A_38 = arith.constant 0 : i32
    %scan3A_39 = arith.constant 20 : i32
    %scan3A_40 = arith.addi %scan3A_38, %scan3A_39 : i32
    %scan3A_41 = arith.constant 1 : i32
    scf.for %scan3A_51 = %scan3A_38 to %scan3A_40 step %scan3A_41  : i32 {
      %mul3A_52 = arith.constant 2 : i32
      %mul3A_53 = arith.muli %scan3A_51, %mul3A_52 : i32
      %add3A_54 = arith.constant 0 : i32
      %add3A_55 = arith.addi %add3A_54, %mul3A_53 : i32
      %add3A_56 = arith.constant 0 : i32
      %add3A_57 = arith.addi %add3A_55, %add3A_56 : i32
      %add3A_58 = arith.constant 2 : i32
      %add3A_59 = arith.addi %add3A_57, %add3A_58 : i32
      %sub3A = arith.constant 1 : i32
      %sub3A_60 = arith.subi %add3A_59, %sub3A : i32
      %lt3A = arith.constant 40 : i32
      %lt3A_61 = arith.cmpi slt, %sub3A_60, %lt3A : i32
      %convert_element_type3A = arith.extui %lt3A_61 : i1 to i32
      %cond3A = arith.constant 0 : i32
      %cond3A_62 = arith.cmpi ne, %convert_element_type3A, %cond3A : i32
      scf.if %cond3A_62 {
        %dma_start3A_93 = arith.constant 0 : i32
        %dma_start3A_94 = tpu.memref_slice %arg7[%sub3A_60, %dma_start3A_93] : memref<40x128xi32, #tpu.memory_space<vmem>> -> memref<1x128xi32, #tpu.memory_space<vmem>>
        %dma_start3A_95 = tpu.memref_squeeze %dma_start3A_94 : memref<1x128xi32, #tpu.memory_space<vmem>> -> memref<128xi32, #tpu.memory_space<vmem>>
        %dma_start3A_96 = arith.constant 0 : i32
        %dma_start3A_97 = arith.constant 0 : i32
        %dma_start3A_98 = tpu.memref_slice %arg2[%dma_start3A_96, %dma_start3A_97] : memref<10240x128xf32, #tpu.memory_space<hbm>> -> memref<10240x128xf32, #tpu.memory_space<hbm>>
        tpu.enqueue_indirect_dma source(%dma_start3A_98 : memref<10240x128xf32, #tpu.memory_space<hbm>>) target(%arg10 : memref<128x128xf32, #tpu.memory_space<vmem>>) offsets(%dma_start3A_95 : memref<128xi32, #tpu.memory_space<vmem>>) semaphore(%arg12 : memref<!tpu.dma_semaphore, #tpu.memory_space<semaphore_mem>>)
      } else {
      }
      %add3A_63 = arith.constant 0 : i32
      %add3A_64 = arith.addi %add3A_55, %add3A_63 : i32
      %dma_wait3A = arith.constant 0 : i32
      %dma_wait3A_65 = tpu.memref_slice %arg7[%add3A_64, %dma_wait3A] : memref<40x128xi32, #tpu.memory_space<vmem>> -> memref<1x128xi32, #tpu.memory_space<vmem>>
      %dma_wait3A_66 = tpu.memref_squeeze %dma_wait3A_65 : memref<1x128xi32, #tpu.memory_space<vmem>> -> memref<128xi32, #tpu.memory_space<vmem>>
      %dma_wait3A_67 = arith.constant 0 : i32
      %dma_wait3A_68 = arith.constant 0 : i32
      %dma_wait3A_69 = tpu.memref_slice %arg2[%dma_wait3A_67, %dma_wait3A_68] : memref<10240x128xf32, #tpu.memory_space<hbm>> -> memref<10240x128xf32, #tpu.memory_space<hbm>>
      tpu.wait_indirect_dma semaphore(%arg11 : memref<!tpu.dma_semaphore, #tpu.memory_space<semaphore_mem>>) src(%dma_wait3A_69 : memref<10240x128xf32, #tpu.memory_space<hbm>>) dst(%arg9 : memref<128x128xf32, #tpu.memory_space<vmem>>)
      %add3A_70 = arith.constant 0 : i32
      %add3A_71 = arith.addi %add3A_55, %add3A_70 : i32
      "tpu.region"() ({
        %run_scoped3A = tpu.sem_alloc : memref<!tpu.dma_semaphore, #tpu.memory_space<semaphore_mem>>
        %dma_start3A_93 = arith.constant 0 : i32
        %dma_start3A_94 = tpu.memref_slice %arg8[%add3A_71, %dma_start3A_93] : memref<40x128xi32, #tpu.memory_space<vmem>> -> memref<1x128xi32, #tpu.memory_space<vmem>>
        %dma_start3A_95 = tpu.memref_squeeze %dma_start3A_94 : memref<1x128xi32, #tpu.memory_space<vmem>> -> memref<128xi32, #tpu.memory_space<vmem>>
        %dma_start3A_96 = arith.constant 0 : i32
        %dma_start3A_97 = arith.constant 0 : i32
        %dma_start3A_98 = tpu.memref_slice %arg13[%dma_start3A_96, %dma_start3A_97] : memref<10240x128xf32, #tpu.memory_space<vmem_shared>> -> memref<10240x128xf32, #tpu.memory_space<vmem_shared>>
        tpu.enqueue_indirect_dma source(%arg9 : memref<128x128xf32, #tpu.memory_space<vmem>>) target(%dma_start3A_98 : memref<10240x128xf32, #tpu.memory_space<vmem_shared>>) offsets(%dma_start3A_95 : memref<128xi32, #tpu.memory_space<vmem>>) semaphore(%run_scoped3A : memref<!tpu.dma_semaphore, #tpu.memory_space<semaphore_mem>>) {add = true}
        %dma_wait3A_99 = arith.constant 0 : i32
        %dma_wait3A_100 = tpu.memref_slice %arg8[%add3A_71, %dma_wait3A_99] : memref<40x128xi32, #tpu.memory_space<vmem>> -> memref<1x128xi32, #tpu.memory_space<vmem>>
        %dma_wait3A_101 = tpu.memref_squeeze %dma_wait3A_100 : memref<1x128xi32, #tpu.memory_space<vmem>> -> memref<128xi32, #tpu.memory_space<vmem>>
        %dma_wait3A_102 = arith.constant 0 : i32
        %dma_wait3A_103 = arith.constant 0 : i32
        %dma_wait3A_104 = tpu.memref_slice %arg13[%dma_wait3A_102, %dma_wait3A_103] : memref<10240x128xf32, #tpu.memory_space<vmem_shared>> -> memref<10240x128xf32, #tpu.memory_space<vmem_shared>>
        tpu.wait_indirect_dma semaphore(%run_scoped3A : memref<!tpu.dma_semaphore, #tpu.memory_space<semaphore_mem>>) src(%arg9 : memref<128x128xf32, #tpu.memory_space<vmem>>) dst(%dma_wait3A_104 : memref<10240x128xf32, #tpu.memory_space<vmem_shared>>)
        tpu.yield
      }) : () -> ()
      %add3A_72 = arith.constant 1 : i32
      %add3A_73 = arith.addi %add3A_55, %add3A_72 : i32
      %add3A_74 = arith.constant 2 : i32
      %add3A_75 = arith.addi %add3A_73, %add3A_74 : i32
      %sub3A_76 = arith.constant 1 : i32
      %sub3A_77 = arith.subi %add3A_75, %sub3A_76 : i32
      %lt3A_78 = arith.constant 40 : i32
      %lt3A_79 = arith.cmpi slt, %sub3A_77, %lt3A_78 : i32
      %convert_element_type3A_80 = arith.extui %lt3A_79 : i1 to i32
      %cond3A_81 = arith.constant 0 : i32
      %cond3A_82 = arith.cmpi ne, %convert_element_type3A_80, %cond3A_81 : i32
      scf.if %cond3A_82 {
        %dma_start3A_93 = arith.constant 0 : i32
        %dma_start3A_94 = tpu.memref_slice %arg7[%sub3A_77, %dma_start3A_93] : memref<40x128xi32, #tpu.memory_space<vmem>> -> memref<1x128xi32, #tpu.memory_space<vmem>>
        %dma_start3A_95 = tpu.memref_squeeze %dma_start3A_94 : memref<1x128xi32, #tpu.memory_space<vmem>> -> memref<128xi32, #tpu.memory_space<vmem>>
        %dma_start3A_96 = arith.constant 0 : i32
        %dma_start3A_97 = arith.constant 0 : i32
        %dma_start3A_98 = tpu.memref_slice %arg2[%dma_start3A_96, %dma_start3A_97] : memref<10240x128xf32, #tpu.memory_space<hbm>> -> memref<10240x128xf32, #tpu.memory_space<hbm>>
        tpu.enqueue_indirect_dma source(%dma_start3A_98 : memref<10240x128xf32, #tpu.memory_space<hbm>>) target(%arg9 : memref<128x128xf32, #tpu.memory_space<vmem>>) offsets(%dma_start3A_95 : memref<128xi32, #tpu.memory_space<vmem>>) semaphore(%arg11 : memref<!tpu.dma_semaphore, #tpu.memory_space<semaphore_mem>>)
      } else {
      }
      %add3A_83 = arith.constant 1 : i32
      %add3A_84 = arith.addi %add3A_55, %add3A_83 : i32
      %dma_wait3A_85 = arith.constant 0 : i32
      %dma_wait3A_86 = tpu.memref_slice %arg7[%add3A_84, %dma_wait3A_85] : memref<40x128xi32, #tpu.memory_space<vmem>> -> memref<1x128xi32, #tpu.memory_space<vmem>>
      %dma_wait3A_87 = tpu.memref_squeeze %dma_wait3A_86 : memref<1x128xi32, #tpu.memory_space<vmem>> -> memref<128xi32, #tpu.memory_space<vmem>>
      %dma_wait3A_88 = arith.constant 0 : i32
      %dma_wait3A_89 = arith.constant 0 : i32
      %dma_wait3A_90 = tpu.memref_slice %arg2[%dma_wait3A_88, %dma_wait3A_89] : memref<10240x128xf32, #tpu.memory_space<hbm>> -> memref<10240x128xf32, #tpu.memory_space<hbm>>
      tpu.wait_indirect_dma semaphore(%arg12 : memref<!tpu.dma_semaphore, #tpu.memory_space<semaphore_mem>>) src(%dma_wait3A_90 : memref<10240x128xf32, #tpu.memory_space<hbm>>) dst(%arg10 : memref<128x128xf32, #tpu.memory_space<vmem>>)
      %add3A_91 = arith.constant 1 : i32
      %add3A_92 = arith.addi %add3A_55, %add3A_91 : i32
      "tpu.region"() ({
        %run_scoped3A = tpu.sem_alloc : memref<!tpu.dma_semaphore, #tpu.memory_space<semaphore_mem>>
        %dma_start3A_93 = arith.constant 0 : i32
        %dma_start3A_94 = tpu.memref_slice %arg8[%add3A_92, %dma_start3A_93] : memref<40x128xi32, #tpu.memory_space<vmem>> -> memref<1x128xi32, #tpu.memory_space<vmem>>
        %dma_start3A_95 = tpu.memref_squeeze %dma_start3A_94 : memref<1x128xi32, #tpu.memory_space<vmem>> -> memref<128xi32, #tpu.memory_space<vmem>>
        %dma_start3A_96 = arith.constant 0 : i32
        %dma_start3A_97 = arith.constant 0 : i32
        %dma_start3A_98 = tpu.memref_slice %arg13[%dma_start3A_96, %dma_start3A_97] : memref<10240x128xf32, #tpu.memory_space<vmem_shared>> -> memref<10240x128xf32, #tpu.memory_space<vmem_shared>>
        tpu.enqueue_indirect_dma source(%arg10 : memref<128x128xf32, #tpu.memory_space<vmem>>) target(%dma_start3A_98 : memref<10240x128xf32, #tpu.memory_space<vmem_shared>>) offsets(%dma_start3A_95 : memref<128xi32, #tpu.memory_space<vmem>>) semaphore(%run_scoped3A : memref<!tpu.dma_semaphore, #tpu.memory_space<semaphore_mem>>) {add = true}
        %dma_wait3A_99 = arith.constant 0 : i32
        %dma_wait3A_100 = tpu.memref_slice %arg8[%add3A_92, %dma_wait3A_99] : memref<40x128xi32, #tpu.memory_space<vmem>> -> memref<1x128xi32, #tpu.memory_space<vmem>>
        %dma_wait3A_101 = tpu.memref_squeeze %dma_wait3A_100 : memref<1x128xi32, #tpu.memory_space<vmem>> -> memref<128xi32, #tpu.memory_space<vmem>>
        %dma_wait3A_102 = arith.constant 0 : i32
        %dma_wait3A_103 = arith.constant 0 : i32
        %dma_wait3A_104 = tpu.memref_slice %arg13[%dma_wait3A_102, %dma_wait3A_103] : memref<10240x128xf32, #tpu.memory_space<vmem_shared>> -> memref<10240x128xf32, #tpu.memory_space<vmem_shared>>
        tpu.wait_indirect_dma semaphore(%run_scoped3A : memref<!tpu.dma_semaphore, #tpu.memory_space<semaphore_mem>>) src(%arg10 : memref<128x128xf32, #tpu.memory_space<vmem>>) dst(%dma_wait3A_104 : memref<10240x128xf32, #tpu.memory_space<vmem_shared>>)
        tpu.yield
      }) : () -> ()
    }
    %scan3A_42 = arith.constant 20 : i32
    %barrier3A_43 = arith.constant 0 : index
    tpu.barrier barrier_id(%barrier3A_43)
    %mul3A_44 = arith.constant 640 : i32
    %mul3A_45 = arith.muli %arg1, %mul3A_44 : i32
    %mul3A_46 = arith.constant 10240 : i32
    %mul3A_47 = arith.muli %arg0, %mul3A_46 : i32
    %mul3A_48 = arith.constant 640 : i32
    %mul3A_49 = arith.muli %arg1, %mul3A_48 : i32
    %add3A_50 = arith.addi %mul3A_47, %mul3A_49 : i32
    "tpu.region"() ({
      %run_scoped3A = tpu.sem_alloc : memref<!tpu.dma_semaphore, #tpu.memory_space<semaphore_mem>>
      %dma_start3A_51 = arith.constant 0 : i32
      %dma_start3A_52 = tpu.memref_slice %arg6[%add3A_50, %dma_start3A_51] : memref<20480x128xf32, #tpu.memory_space<hbm>> -> memref<640x128xf32, #tpu.memory_space<hbm>>
      %dma_start3A_53 = arith.constant 0 : i32
      %dma_start3A_54 = tpu.memref_slice %arg13[%mul3A_45, %dma_start3A_53] : memref<10240x128xf32, #tpu.memory_space<vmem_shared>> -> memref<640x128xf32, #tpu.memory_space<vmem_shared>>
      tpu.enqueue_dma source(%dma_start3A_54 : memref<640x128xf32, #tpu.memory_space<vmem_shared>>) target(%dma_start3A_52 : memref<640x128xf32, #tpu.memory_space<hbm>>) target_semaphore(%run_scoped3A : memref<!tpu.dma_semaphore, #tpu.memory_space<semaphore_mem>>)
      %dma_wait3A = arith.constant 0 : i32
      %dma_wait3A_55 = tpu.memref_slice %arg6[%add3A_50, %dma_wait3A] : memref<20480x128xf32, #tpu.memory_space<hbm>> -> memref<640x128xf32, #tpu.memory_space<hbm>>
      %dma_wait3A_56 = arith.constant 0 : i32
      %dma_wait3A_57 = tpu.memref_slice %arg13[%mul3A_45, %dma_wait3A_56] : memref<10240x128xf32, #tpu.memory_space<vmem_shared>> -> memref<640x128xf32, #tpu.memory_space<vmem_shared>>
      tpu.wait_dma2 semaphore(%run_scoped3A : memref<!tpu.dma_semaphore, #tpu.memory_space<semaphore_mem>>) src(%dma_wait3A_57 : memref<640x128xf32, #tpu.memory_space<vmem_shared>>) dst(%dma_wait3A_55 : memref<640x128xf32, #tpu.memory_space<hbm>>)
      tpu.yield
    }) : () -> ()
    return
  }
}

#map = affine_map<(d0, d1) -> (0, 0)>
#map1 = affine_map<(d0, d1) -> (0, 0, 0)>
module attributes {stable_mosaic.version = 14 : i64} {
  func.func @_sc_propagate(%arg0: i32, %arg1: i32, %arg2: memref<10240x128xf32, #tpu.memory_space<hbm>>, %arg3: memref<64x40x128xi32, #tpu.memory_space<hbm>>, %arg4: memref<64x40x128xi32, #tpu.memory_space<hbm>>, %arg5: memref<10240x128xf32, #tpu.memory_space<hbm>>, %arg6: memref<20480x128xf32, #tpu.memory_space<hbm>>, %arg7: memref<40x128xi32, #tpu.memory_space<vmem>>, %arg8: memref<40x128xi32, #tpu.memory_space<vmem>>, %arg9: memref<128x128xf32, #tpu.memory_space<vmem>>, %arg10: memref<128x128xf32, #tpu.memory_space<vmem>>, %arg11: memref<!tpu.dma_semaphore, #tpu.memory_space<semaphore_mem>>, %arg12: memref<!tpu.dma_semaphore, #tpu.memory_space<semaphore_mem>>, %arg13: memref<10240x128xf32, #tpu.memory_space<vmem_shared>>) attributes {dimension_semantics = [#tpu.dimension_semantics<core_parallel>, #tpu.dimension_semantics<subcore_parallel>], iteration_bounds = array<i64: 2, 16>, scalar_prefetch = 0 : i64, scratch_operands = 7 : i64, tpu.core_type = #tpu.core_type<sc_vector_subcore>, window_params = [{transform_indices = #map}, {transform_indices = #map1}, {transform_indices = #map1}, {transform_indices = #map}, {transform_indices = #map}]} {
    %mul3A = arith.constant 16 : i32
    %mul3A_0 = arith.muli %arg0, %mul3A : i32
    %add3A = arith.addi %mul3A_0, %arg1 : i32
    %mul3A_1 = arith.constant 640 : i32
    %mul3A_2 = arith.muli %arg1, %mul3A_1 : i32
    %mul3A_3 = arith.constant 640 : i32
    %mul3A_4 = arith.muli %arg1, %mul3A_3 : i32
    "tpu.region"() ({
      %run_scoped3A = tpu.sem_alloc : memref<!tpu.dma_semaphore, #tpu.memory_space<semaphore_mem>>
      %dma_start3A_51 = arith.constant 0 : i32
      %dma_start3A_52 = tpu.memref_slice %arg13[%mul3A_4, %dma_start3A_51] : memref<10240x128xf32, #tpu.memory_space<vmem_shared>> -> memref<640x128xf32, #tpu.memory_space<vmem_shared>>
      %dma_start3A_53 = arith.constant 0 : i32
      %dma_start3A_54 = tpu.memref_slice %arg5[%mul3A_2, %dma_start3A_53] : memref<10240x128xf32, #tpu.memory_space<hbm>> -> memref<640x128xf32, #tpu.memory_space<hbm>>
      tpu.enqueue_dma source(%dma_start3A_54 : memref<640x128xf32, #tpu.memory_space<hbm>>) target(%dma_start3A_52 : memref<640x128xf32, #tpu.memory_space<vmem_shared>>) target_semaphore(%run_scoped3A : memref<!tpu.dma_semaphore, #tpu.memory_space<semaphore_mem>>)
      %dma_wait3A = arith.constant 0 : i32
      %dma_wait3A_55 = tpu.memref_slice %arg13[%mul3A_4, %dma_wait3A] : memref<10240x128xf32, #tpu.memory_space<vmem_shared>> -> memref<640x128xf32, #tpu.memory_space<vmem_shared>>
      %dma_wait3A_56 = arith.constant 0 : i32
      %dma_wait3A_57 = tpu.memref_slice %arg5[%mul3A_2, %dma_wait3A_56] : memref<10240x128xf32, #tpu.memory_space<hbm>> -> memref<640x128xf32, #tpu.memory_space<hbm>>
      tpu.wait_dma2 semaphore(%run_scoped3A : memref<!tpu.dma_semaphore, #tpu.memory_space<semaphore_mem>>) src(%dma_wait3A_57 : memref<640x128xf32, #tpu.memory_space<hbm>>) dst(%dma_wait3A_55 : memref<640x128xf32, #tpu.memory_space<vmem_shared>>)
      tpu.yield
    }) : () -> ()
    %barrier3A = arith.constant 0 : index
    tpu.barrier barrier_id(%barrier3A)
    %mul3A_5 = arith.constant 2 : i32
    %mul3A_6 = arith.muli %mul3A_5, %add3A : i32
    %add3A_7 = arith.constant 0 : i32
    %add3A_8 = arith.addi %mul3A_6, %add3A_7 : i32
    "tpu.region"() ({
      %run_scoped3A = tpu.sem_alloc : memref<!tpu.dma_semaphore, #tpu.memory_space<semaphore_mem>>
      %dma_start3A_51 = arith.constant 0 : i32
      %dma_start3A_52 = arith.constant 0 : i32
      %dma_start3A_53 = tpu.memref_slice %arg3[%add3A_8, %dma_start3A_51, %dma_start3A_52] : memref<64x40x128xi32, #tpu.memory_space<hbm>> -> memref<1x40x128xi32, #tpu.memory_space<hbm>>
      %dma_start3A_54 = tpu.memref_squeeze %dma_start3A_53 : memref<1x40x128xi32, #tpu.memory_space<hbm>> -> memref<40x128xi32, #tpu.memory_space<hbm>>
      %dma_start3A_55 = arith.constant 0 : i32
      %dma_start3A_56 = arith.constant 0 : i32
      %dma_start3A_57 = tpu.memref_slice %arg3[%add3A_8, %dma_start3A_55, %dma_start3A_56] : memref<64x40x128xi32, #tpu.memory_space<hbm>> -> memref<1x40x128xi32, #tpu.memory_space<hbm>>
      %dma_start3A_58 = tpu.memref_squeeze %dma_start3A_57 : memref<1x40x128xi32, #tpu.memory_space<hbm>> -> memref<40x128xi32, #tpu.memory_space<hbm>>
      tpu.enqueue_dma source(%dma_start3A_58 : memref<40x128xi32, #tpu.memory_space<hbm>>) target(%arg7 : memref<40x128xi32, #tpu.memory_space<vmem>>) target_semaphore(%run_scoped3A : memref<!tpu.dma_semaphore, #tpu.memory_space<semaphore_mem>>)
      %dma_wait3A = arith.constant 0 : i32
      %dma_wait3A_59 = arith.constant 0 : i32
      %dma_wait3A_60 = tpu.memref_slice %arg3[%add3A_8, %dma_wait3A, %dma_wait3A_59] : memref<64x40x128xi32, #tpu.memory_space<hbm>> -> memref<1x40x128xi32, #tpu.memory_space<hbm>>
      %dma_wait3A_61 = tpu.memref_squeeze %dma_wait3A_60 : memref<1x40x128xi32, #tpu.memory_space<hbm>> -> memref<40x128xi32, #tpu.memory_space<hbm>>
      %dma_wait3A_62 = arith.constant 0 : i32
      %dma_wait3A_63 = arith.constant 0 : i32
      %dma_wait3A_64 = tpu.memref_slice %arg3[%add3A_8, %dma_wait3A_62, %dma_wait3A_63] : memref<64x40x128xi32, #tpu.memory_space<hbm>> -> memref<1x40x128xi32, #tpu.memory_space<hbm>>
      %dma_wait3A_65 = tpu.memref_squeeze %dma_wait3A_64 : memref<1x40x128xi32, #tpu.memory_space<hbm>> -> memref<40x128xi32, #tpu.memory_space<hbm>>
      tpu.wait_dma2 semaphore(%run_scoped3A : memref<!tpu.dma_semaphore, #tpu.memory_space<semaphore_mem>>) src(%dma_wait3A_65 : memref<40x128xi32, #tpu.memory_space<hbm>>) dst(%arg7 : memref<40x128xi32, #tpu.memory_space<vmem>>)
      tpu.yield
    }) : () -> ()
    %mul3A_9 = arith.constant 2 : i32
    %mul3A_10 = arith.muli %mul3A_9, %add3A : i32
    %add3A_11 = arith.constant 0 : i32
    %add3A_12 = arith.addi %mul3A_10, %add3A_11 : i32
    "tpu.region"() ({
      %run_scoped3A = tpu.sem_alloc : memref<!tpu.dma_semaphore, #tpu.memory_space<semaphore_mem>>
      %dma_start3A_51 = arith.constant 0 : i32
      %dma_start3A_52 = arith.constant 0 : i32
      %dma_start3A_53 = tpu.memref_slice %arg4[%add3A_12, %dma_start3A_51, %dma_start3A_52] : memref<64x40x128xi32, #tpu.memory_space<hbm>> -> memref<1x40x128xi32, #tpu.memory_space<hbm>>
      %dma_start3A_54 = tpu.memref_squeeze %dma_start3A_53 : memref<1x40x128xi32, #tpu.memory_space<hbm>> -> memref<40x128xi32, #tpu.memory_space<hbm>>
      %dma_start3A_55 = arith.constant 0 : i32
      %dma_start3A_56 = arith.constant 0 : i32
      %dma_start3A_57 = tpu.memref_slice %arg4[%add3A_12, %dma_start3A_55, %dma_start3A_56] : memref<64x40x128xi32, #tpu.memory_space<hbm>> -> memref<1x40x128xi32, #tpu.memory_space<hbm>>
      %dma_start3A_58 = tpu.memref_squeeze %dma_start3A_57 : memref<1x40x128xi32, #tpu.memory_space<hbm>> -> memref<40x128xi32, #tpu.memory_space<hbm>>
      tpu.enqueue_dma source(%dma_start3A_58 : memref<40x128xi32, #tpu.memory_space<hbm>>) target(%arg8 : memref<40x128xi32, #tpu.memory_space<vmem>>) target_semaphore(%run_scoped3A : memref<!tpu.dma_semaphore, #tpu.memory_space<semaphore_mem>>)
      %dma_wait3A = arith.constant 0 : i32
      %dma_wait3A_59 = arith.constant 0 : i32
      %dma_wait3A_60 = tpu.memref_slice %arg4[%add3A_12, %dma_wait3A, %dma_wait3A_59] : memref<64x40x128xi32, #tpu.memory_space<hbm>> -> memref<1x40x128xi32, #tpu.memory_space<hbm>>
      %dma_wait3A_61 = tpu.memref_squeeze %dma_wait3A_60 : memref<1x40x128xi32, #tpu.memory_space<hbm>> -> memref<40x128xi32, #tpu.memory_space<hbm>>
      %dma_wait3A_62 = arith.constant 0 : i32
      %dma_wait3A_63 = arith.constant 0 : i32
      %dma_wait3A_64 = tpu.memref_slice %arg4[%add3A_12, %dma_wait3A_62, %dma_wait3A_63] : memref<64x40x128xi32, #tpu.memory_space<hbm>> -> memref<1x40x128xi32, #tpu.memory_space<hbm>>
      %dma_wait3A_65 = tpu.memref_squeeze %dma_wait3A_64 : memref<1x40x128xi32, #tpu.memory_space<hbm>> -> memref<40x128xi32, #tpu.memory_space<hbm>>
      tpu.wait_dma2 semaphore(%run_scoped3A : memref<!tpu.dma_semaphore, #tpu.memory_space<semaphore_mem>>) src(%dma_wait3A_65 : memref<40x128xi32, #tpu.memory_space<hbm>>) dst(%arg8 : memref<40x128xi32, #tpu.memory_space<vmem>>)
      tpu.yield
    }) : () -> ()
    %dma_start3A = arith.constant 0 : i32
    %dma_start3A_13 = arith.constant 0 : i32
    %dma_start3A_14 = tpu.memref_slice %arg7[%dma_start3A, %dma_start3A_13] : memref<40x128xi32, #tpu.memory_space<vmem>> -> memref<1x128xi32, #tpu.memory_space<vmem>>
    %dma_start3A_15 = tpu.memref_squeeze %dma_start3A_14 : memref<1x128xi32, #tpu.memory_space<vmem>> -> memref<128xi32, #tpu.memory_space<vmem>>
    %dma_start3A_16 = arith.constant 0 : i32
    %dma_start3A_17 = arith.constant 0 : i32
    %dma_start3A_18 = tpu.memref_slice %arg2[%dma_start3A_16, %dma_start3A_17] : memref<10240x128xf32, #tpu.memory_space<hbm>> -> memref<10240x128xf32, #tpu.memory_space<hbm>>
    tpu.enqueue_indirect_dma source(%dma_start3A_18 : memref<10240x128xf32, #tpu.memory_space<hbm>>) target(%arg9 : memref<128x128xf32, #tpu.memory_space<vmem>>) offsets(%dma_start3A_15 : memref<128xi32, #tpu.memory_space<vmem>>) semaphore(%arg11 : memref<!tpu.dma_semaphore, #tpu.memory_space<semaphore_mem>>)
    %scan3A = arith.constant 0 : i32
    %scan3A_19 = arith.constant 20 : i32
    %scan3A_20 = arith.addi %scan3A, %scan3A_19 : i32
    %scan3A_21 = arith.constant 1 : i32
    scf.for %scan3A_51 = %scan3A to %scan3A_20 step %scan3A_21  : i32 {
      %mul3A_52 = arith.constant 2 : i32
      %mul3A_53 = arith.muli %scan3A_51, %mul3A_52 : i32
      %add3A_54 = arith.constant 0 : i32
      %add3A_55 = arith.addi %add3A_54, %mul3A_53 : i32
      %add3A_56 = arith.constant 0 : i32
      %add3A_57 = arith.addi %add3A_55, %add3A_56 : i32
      %add3A_58 = arith.constant 2 : i32
      %add3A_59 = arith.addi %add3A_57, %add3A_58 : i32
      %sub3A = arith.constant 1 : i32
      %sub3A_60 = arith.subi %add3A_59, %sub3A : i32
      %lt3A = arith.constant 40 : i32
      %lt3A_61 = arith.cmpi slt, %sub3A_60, %lt3A : i32
      %convert_element_type3A = arith.extui %lt3A_61 : i1 to i32
      %cond3A = arith.constant 0 : i32
      %cond3A_62 = arith.cmpi ne, %convert_element_type3A, %cond3A : i32
      scf.if %cond3A_62 {
        %dma_start3A_93 = arith.constant 0 : i32
        %dma_start3A_94 = tpu.memref_slice %arg7[%sub3A_60, %dma_start3A_93] : memref<40x128xi32, #tpu.memory_space<vmem>> -> memref<1x128xi32, #tpu.memory_space<vmem>>
        %dma_start3A_95 = tpu.memref_squeeze %dma_start3A_94 : memref<1x128xi32, #tpu.memory_space<vmem>> -> memref<128xi32, #tpu.memory_space<vmem>>
        %dma_start3A_96 = arith.constant 0 : i32
        %dma_start3A_97 = arith.constant 0 : i32
        %dma_start3A_98 = tpu.memref_slice %arg2[%dma_start3A_96, %dma_start3A_97] : memref<10240x128xf32, #tpu.memory_space<hbm>> -> memref<10240x128xf32, #tpu.memory_space<hbm>>
        tpu.enqueue_indirect_dma source(%dma_start3A_98 : memref<10240x128xf32, #tpu.memory_space<hbm>>) target(%arg10 : memref<128x128xf32, #tpu.memory_space<vmem>>) offsets(%dma_start3A_95 : memref<128xi32, #tpu.memory_space<vmem>>) semaphore(%arg12 : memref<!tpu.dma_semaphore, #tpu.memory_space<semaphore_mem>>)
      } else {
      }
      %add3A_63 = arith.constant 0 : i32
      %add3A_64 = arith.addi %add3A_55, %add3A_63 : i32
      %dma_wait3A = arith.constant 0 : i32
      %dma_wait3A_65 = tpu.memref_slice %arg7[%add3A_64, %dma_wait3A] : memref<40x128xi32, #tpu.memory_space<vmem>> -> memref<1x128xi32, #tpu.memory_space<vmem>>
      %dma_wait3A_66 = tpu.memref_squeeze %dma_wait3A_65 : memref<1x128xi32, #tpu.memory_space<vmem>> -> memref<128xi32, #tpu.memory_space<vmem>>
      %dma_wait3A_67 = arith.constant 0 : i32
      %dma_wait3A_68 = arith.constant 0 : i32
      %dma_wait3A_69 = tpu.memref_slice %arg2[%dma_wait3A_67, %dma_wait3A_68] : memref<10240x128xf32, #tpu.memory_space<hbm>> -> memref<10240x128xf32, #tpu.memory_space<hbm>>
      tpu.wait_indirect_dma semaphore(%arg11 : memref<!tpu.dma_semaphore, #tpu.memory_space<semaphore_mem>>) src(%dma_wait3A_69 : memref<10240x128xf32, #tpu.memory_space<hbm>>) dst(%arg9 : memref<128x128xf32, #tpu.memory_space<vmem>>)
      %add3A_70 = arith.constant 0 : i32
      %add3A_71 = arith.addi %add3A_55, %add3A_70 : i32
      "tpu.region"() ({
        %run_scoped3A = tpu.sem_alloc : memref<!tpu.dma_semaphore, #tpu.memory_space<semaphore_mem>>
        %dma_start3A_93 = arith.constant 0 : i32
        %dma_start3A_94 = tpu.memref_slice %arg8[%add3A_71, %dma_start3A_93] : memref<40x128xi32, #tpu.memory_space<vmem>> -> memref<1x128xi32, #tpu.memory_space<vmem>>
        %dma_start3A_95 = tpu.memref_squeeze %dma_start3A_94 : memref<1x128xi32, #tpu.memory_space<vmem>> -> memref<128xi32, #tpu.memory_space<vmem>>
        %dma_start3A_96 = arith.constant 0 : i32
        %dma_start3A_97 = arith.constant 0 : i32
        %dma_start3A_98 = tpu.memref_slice %arg13[%dma_start3A_96, %dma_start3A_97] : memref<10240x128xf32, #tpu.memory_space<vmem_shared>> -> memref<10240x128xf32, #tpu.memory_space<vmem_shared>>
        tpu.enqueue_indirect_dma source(%arg9 : memref<128x128xf32, #tpu.memory_space<vmem>>) target(%dma_start3A_98 : memref<10240x128xf32, #tpu.memory_space<vmem_shared>>) offsets(%dma_start3A_95 : memref<128xi32, #tpu.memory_space<vmem>>) semaphore(%run_scoped3A : memref<!tpu.dma_semaphore, #tpu.memory_space<semaphore_mem>>) {add = true}
        %dma_wait3A_99 = arith.constant 0 : i32
        %dma_wait3A_100 = tpu.memref_slice %arg8[%add3A_71, %dma_wait3A_99] : memref<40x128xi32, #tpu.memory_space<vmem>> -> memref<1x128xi32, #tpu.memory_space<vmem>>
        %dma_wait3A_101 = tpu.memref_squeeze %dma_wait3A_100 : memref<1x128xi32, #tpu.memory_space<vmem>> -> memref<128xi32, #tpu.memory_space<vmem>>
        %dma_wait3A_102 = arith.constant 0 : i32
        %dma_wait3A_103 = arith.constant 0 : i32
        %dma_wait3A_104 = tpu.memref_slice %arg13[%dma_wait3A_102, %dma_wait3A_103] : memref<10240x128xf32, #tpu.memory_space<vmem_shared>> -> memref<10240x128xf32, #tpu.memory_space<vmem_shared>>
        tpu.wait_indirect_dma semaphore(%run_scoped3A : memref<!tpu.dma_semaphore, #tpu.memory_space<semaphore_mem>>) src(%arg9 : memref<128x128xf32, #tpu.memory_space<vmem>>) dst(%dma_wait3A_104 : memref<10240x128xf32, #tpu.memory_space<vmem_shared>>)
        tpu.yield
      }) : () -> ()
      %add3A_72 = arith.constant 1 : i32
      %add3A_73 = arith.addi %add3A_55, %add3A_72 : i32
      %add3A_74 = arith.constant 2 : i32
      %add3A_75 = arith.addi %add3A_73, %add3A_74 : i32
      %sub3A_76 = arith.constant 1 : i32
      %sub3A_77 = arith.subi %add3A_75, %sub3A_76 : i32
      %lt3A_78 = arith.constant 40 : i32
      %lt3A_79 = arith.cmpi slt, %sub3A_77, %lt3A_78 : i32
      %convert_element_type3A_80 = arith.extui %lt3A_79 : i1 to i32
      %cond3A_81 = arith.constant 0 : i32
      %cond3A_82 = arith.cmpi ne, %convert_element_type3A_80, %cond3A_81 : i32
      scf.if %cond3A_82 {
        %dma_start3A_93 = arith.constant 0 : i32
        %dma_start3A_94 = tpu.memref_slice %arg7[%sub3A_77, %dma_start3A_93] : memref<40x128xi32, #tpu.memory_space<vmem>> -> memref<1x128xi32, #tpu.memory_space<vmem>>
        %dma_start3A_95 = tpu.memref_squeeze %dma_start3A_94 : memref<1x128xi32, #tpu.memory_space<vmem>> -> memref<128xi32, #tpu.memory_space<vmem>>
        %dma_start3A_96 = arith.constant 0 : i32
        %dma_start3A_97 = arith.constant 0 : i32
        %dma_start3A_98 = tpu.memref_slice %arg2[%dma_start3A_96, %dma_start3A_97] : memref<10240x128xf32, #tpu.memory_space<hbm>> -> memref<10240x128xf32, #tpu.memory_space<hbm>>
        tpu.enqueue_indirect_dma source(%dma_start3A_98 : memref<10240x128xf32, #tpu.memory_space<hbm>>) target(%arg9 : memref<128x128xf32, #tpu.memory_space<vmem>>) offsets(%dma_start3A_95 : memref<128xi32, #tpu.memory_space<vmem>>) semaphore(%arg11 : memref<!tpu.dma_semaphore, #tpu.memory_space<semaphore_mem>>)
      } else {
      }
      %add3A_83 = arith.constant 1 : i32
      %add3A_84 = arith.addi %add3A_55, %add3A_83 : i32
      %dma_wait3A_85 = arith.constant 0 : i32
      %dma_wait3A_86 = tpu.memref_slice %arg7[%add3A_84, %dma_wait3A_85] : memref<40x128xi32, #tpu.memory_space<vmem>> -> memref<1x128xi32, #tpu.memory_space<vmem>>
      %dma_wait3A_87 = tpu.memref_squeeze %dma_wait3A_86 : memref<1x128xi32, #tpu.memory_space<vmem>> -> memref<128xi32, #tpu.memory_space<vmem>>
      %dma_wait3A_88 = arith.constant 0 : i32
      %dma_wait3A_89 = arith.constant 0 : i32
      %dma_wait3A_90 = tpu.memref_slice %arg2[%dma_wait3A_88, %dma_wait3A_89] : memref<10240x128xf32, #tpu.memory_space<hbm>> -> memref<10240x128xf32, #tpu.memory_space<hbm>>
      tpu.wait_indirect_dma semaphore(%arg12 : memref<!tpu.dma_semaphore, #tpu.memory_space<semaphore_mem>>) src(%dma_wait3A_90 : memref<10240x128xf32, #tpu.memory_space<hbm>>) dst(%arg10 : memref<128x128xf32, #tpu.memory_space<vmem>>)
      %add3A_91 = arith.constant 1 : i32
      %add3A_92 = arith.addi %add3A_55, %add3A_91 : i32
      "tpu.region"() ({
        %run_scoped3A = tpu.sem_alloc : memref<!tpu.dma_semaphore, #tpu.memory_space<semaphore_mem>>
        %dma_start3A_93 = arith.constant 0 : i32
        %dma_start3A_94 = tpu.memref_slice %arg8[%add3A_92, %dma_start3A_93] : memref<40x128xi32, #tpu.memory_space<vmem>> -> memref<1x128xi32, #tpu.memory_space<vmem>>
        %dma_start3A_95 = tpu.memref_squeeze %dma_start3A_94 : memref<1x128xi32, #tpu.memory_space<vmem>> -> memref<128xi32, #tpu.memory_space<vmem>>
        %dma_start3A_96 = arith.constant 0 : i32
        %dma_start3A_97 = arith.constant 0 : i32
        %dma_start3A_98 = tpu.memref_slice %arg13[%dma_start3A_96, %dma_start3A_97] : memref<10240x128xf32, #tpu.memory_space<vmem_shared>> -> memref<10240x128xf32, #tpu.memory_space<vmem_shared>>
        tpu.enqueue_indirect_dma source(%arg10 : memref<128x128xf32, #tpu.memory_space<vmem>>) target(%dma_start3A_98 : memref<10240x128xf32, #tpu.memory_space<vmem_shared>>) offsets(%dma_start3A_95 : memref<128xi32, #tpu.memory_space<vmem>>) semaphore(%run_scoped3A : memref<!tpu.dma_semaphore, #tpu.memory_space<semaphore_mem>>) {add = true}
        %dma_wait3A_99 = arith.constant 0 : i32
        %dma_wait3A_100 = tpu.memref_slice %arg8[%add3A_92, %dma_wait3A_99] : memref<40x128xi32, #tpu.memory_space<vmem>> -> memref<1x128xi32, #tpu.memory_space<vmem>>
        %dma_wait3A_101 = tpu.memref_squeeze %dma_wait3A_100 : memref<1x128xi32, #tpu.memory_space<vmem>> -> memref<128xi32, #tpu.memory_space<vmem>>
        %dma_wait3A_102 = arith.constant 0 : i32
        %dma_wait3A_103 = arith.constant 0 : i32
        %dma_wait3A_104 = tpu.memref_slice %arg13[%dma_wait3A_102, %dma_wait3A_103] : memref<10240x128xf32, #tpu.memory_space<vmem_shared>> -> memref<10240x128xf32, #tpu.memory_space<vmem_shared>>
        tpu.wait_indirect_dma semaphore(%run_scoped3A : memref<!tpu.dma_semaphore, #tpu.memory_space<semaphore_mem>>) src(%arg10 : memref<128x128xf32, #tpu.memory_space<vmem>>) dst(%dma_wait3A_104 : memref<10240x128xf32, #tpu.memory_space<vmem_shared>>)
        tpu.yield
      }) : () -> ()
    }
    %scan3A_22 = arith.constant 20 : i32
    %mul3A_23 = arith.constant 2 : i32
    %mul3A_24 = arith.muli %mul3A_23, %add3A : i32
    %add3A_25 = arith.constant 1 : i32
    %add3A_26 = arith.addi %mul3A_24, %add3A_25 : i32
    "tpu.region"() ({
      %run_scoped3A = tpu.sem_alloc : memref<!tpu.dma_semaphore, #tpu.memory_space<semaphore_mem>>
      %dma_start3A_51 = arith.constant 0 : i32
      %dma_start3A_52 = arith.constant 0 : i32
      %dma_start3A_53 = tpu.memref_slice %arg3[%add3A_26, %dma_start3A_51, %dma_start3A_52] : memref<64x40x128xi32, #tpu.memory_space<hbm>> -> memref<1x40x128xi32, #tpu.memory_space<hbm>>
      %dma_start3A_54 = tpu.memref_squeeze %dma_start3A_53 : memref<1x40x128xi32, #tpu.memory_space<hbm>> -> memref<40x128xi32, #tpu.memory_space<hbm>>
      %dma_start3A_55 = arith.constant 0 : i32
      %dma_start3A_56 = arith.constant 0 : i32
      %dma_start3A_57 = tpu.memref_slice %arg3[%add3A_26, %dma_start3A_55, %dma_start3A_56] : memref<64x40x128xi32, #tpu.memory_space<hbm>> -> memref<1x40x128xi32, #tpu.memory_space<hbm>>
      %dma_start3A_58 = tpu.memref_squeeze %dma_start3A_57 : memref<1x40x128xi32, #tpu.memory_space<hbm>> -> memref<40x128xi32, #tpu.memory_space<hbm>>
      tpu.enqueue_dma source(%dma_start3A_58 : memref<40x128xi32, #tpu.memory_space<hbm>>) target(%arg7 : memref<40x128xi32, #tpu.memory_space<vmem>>) target_semaphore(%run_scoped3A : memref<!tpu.dma_semaphore, #tpu.memory_space<semaphore_mem>>)
      %dma_wait3A = arith.constant 0 : i32
      %dma_wait3A_59 = arith.constant 0 : i32
      %dma_wait3A_60 = tpu.memref_slice %arg3[%add3A_26, %dma_wait3A, %dma_wait3A_59] : memref<64x40x128xi32, #tpu.memory_space<hbm>> -> memref<1x40x128xi32, #tpu.memory_space<hbm>>
      %dma_wait3A_61 = tpu.memref_squeeze %dma_wait3A_60 : memref<1x40x128xi32, #tpu.memory_space<hbm>> -> memref<40x128xi32, #tpu.memory_space<hbm>>
      %dma_wait3A_62 = arith.constant 0 : i32
      %dma_wait3A_63 = arith.constant 0 : i32
      %dma_wait3A_64 = tpu.memref_slice %arg3[%add3A_26, %dma_wait3A_62, %dma_wait3A_63] : memref<64x40x128xi32, #tpu.memory_space<hbm>> -> memref<1x40x128xi32, #tpu.memory_space<hbm>>
      %dma_wait3A_65 = tpu.memref_squeeze %dma_wait3A_64 : memref<1x40x128xi32, #tpu.memory_space<hbm>> -> memref<40x128xi32, #tpu.memory_space<hbm>>
      tpu.wait_dma2 semaphore(%run_scoped3A : memref<!tpu.dma_semaphore, #tpu.memory_space<semaphore_mem>>) src(%dma_wait3A_65 : memref<40x128xi32, #tpu.memory_space<hbm>>) dst(%arg7 : memref<40x128xi32, #tpu.memory_space<vmem>>)
      tpu.yield
    }) : () -> ()
    %mul3A_27 = arith.constant 2 : i32
    %mul3A_28 = arith.muli %mul3A_27, %add3A : i32
    %add3A_29 = arith.constant 1 : i32
    %add3A_30 = arith.addi %mul3A_28, %add3A_29 : i32
    "tpu.region"() ({
      %run_scoped3A = tpu.sem_alloc : memref<!tpu.dma_semaphore, #tpu.memory_space<semaphore_mem>>
      %dma_start3A_51 = arith.constant 0 : i32
      %dma_start3A_52 = arith.constant 0 : i32
      %dma_start3A_53 = tpu.memref_slice %arg4[%add3A_30, %dma_start3A_51, %dma_start3A_52] : memref<64x40x128xi32, #tpu.memory_space<hbm>> -> memref<1x40x128xi32, #tpu.memory_space<hbm>>
      %dma_start3A_54 = tpu.memref_squeeze %dma_start3A_53 : memref<1x40x128xi32, #tpu.memory_space<hbm>> -> memref<40x128xi32, #tpu.memory_space<hbm>>
      %dma_start3A_55 = arith.constant 0 : i32
      %dma_start3A_56 = arith.constant 0 : i32
      %dma_start3A_57 = tpu.memref_slice %arg4[%add3A_30, %dma_start3A_55, %dma_start3A_56] : memref<64x40x128xi32, #tpu.memory_space<hbm>> -> memref<1x40x128xi32, #tpu.memory_space<hbm>>
      %dma_start3A_58 = tpu.memref_squeeze %dma_start3A_57 : memref<1x40x128xi32, #tpu.memory_space<hbm>> -> memref<40x128xi32, #tpu.memory_space<hbm>>
      tpu.enqueue_dma source(%dma_start3A_58 : memref<40x128xi32, #tpu.memory_space<hbm>>) target(%arg8 : memref<40x128xi32, #tpu.memory_space<vmem>>) target_semaphore(%run_scoped3A : memref<!tpu.dma_semaphore, #tpu.memory_space<semaphore_mem>>)
      %dma_wait3A = arith.constant 0 : i32
      %dma_wait3A_59 = arith.constant 0 : i32
      %dma_wait3A_60 = tpu.memref_slice %arg4[%add3A_30, %dma_wait3A, %dma_wait3A_59] : memref<64x40x128xi32, #tpu.memory_space<hbm>> -> memref<1x40x128xi32, #tpu.memory_space<hbm>>
      %dma_wait3A_61 = tpu.memref_squeeze %dma_wait3A_60 : memref<1x40x128xi32, #tpu.memory_space<hbm>> -> memref<40x128xi32, #tpu.memory_space<hbm>>
      %dma_wait3A_62 = arith.constant 0 : i32
      %dma_wait3A_63 = arith.constant 0 : i32
      %dma_wait3A_64 = tpu.memref_slice %arg4[%add3A_30, %dma_wait3A_62, %dma_wait3A_63] : memref<64x40x128xi32, #tpu.memory_space<hbm>> -> memref<1x40x128xi32, #tpu.memory_space<hbm>>
      %dma_wait3A_65 = tpu.memref_squeeze %dma_wait3A_64 : memref<1x40x128xi32, #tpu.memory_space<hbm>> -> memref<40x128xi32, #tpu.memory_space<hbm>>
      tpu.wait_dma2 semaphore(%run_scoped3A : memref<!tpu.dma_semaphore, #tpu.memory_space<semaphore_mem>>) src(%dma_wait3A_65 : memref<40x128xi32, #tpu.memory_space<hbm>>) dst(%arg8 : memref<40x128xi32, #tpu.memory_space<vmem>>)
      tpu.yield
    }) : () -> ()
    %dma_start3A_31 = arith.constant 0 : i32
    %dma_start3A_32 = arith.constant 0 : i32
    %dma_start3A_33 = tpu.memref_slice %arg7[%dma_start3A_31, %dma_start3A_32] : memref<40x128xi32, #tpu.memory_space<vmem>> -> memref<1x128xi32, #tpu.memory_space<vmem>>
    %dma_start3A_34 = tpu.memref_squeeze %dma_start3A_33 : memref<1x128xi32, #tpu.memory_space<vmem>> -> memref<128xi32, #tpu.memory_space<vmem>>
    %dma_start3A_35 = arith.constant 0 : i32
    %dma_start3A_36 = arith.constant 0 : i32
    %dma_start3A_37 = tpu.memref_slice %arg2[%dma_start3A_35, %dma_start3A_36] : memref<10240x128xf32, #tpu.memory_space<hbm>> -> memref<10240x128xf32, #tpu.memory_space<hbm>>
    tpu.enqueue_indirect_dma source(%dma_start3A_37 : memref<10240x128xf32, #tpu.memory_space<hbm>>) target(%arg9 : memref<128x128xf32, #tpu.memory_space<vmem>>) offsets(%dma_start3A_34 : memref<128xi32, #tpu.memory_space<vmem>>) semaphore(%arg11 : memref<!tpu.dma_semaphore, #tpu.memory_space<semaphore_mem>>)
    %scan3A_38 = arith.constant 0 : i32
    %scan3A_39 = arith.constant 20 : i32
    %scan3A_40 = arith.addi %scan3A_38, %scan3A_39 : i32
    %scan3A_41 = arith.constant 1 : i32
    scf.for %scan3A_51 = %scan3A_38 to %scan3A_40 step %scan3A_41  : i32 {
      %mul3A_52 = arith.constant 2 : i32
      %mul3A_53 = arith.muli %scan3A_51, %mul3A_52 : i32
      %add3A_54 = arith.constant 0 : i32
      %add3A_55 = arith.addi %add3A_54, %mul3A_53 : i32
      %add3A_56 = arith.constant 0 : i32
      %add3A_57 = arith.addi %add3A_55, %add3A_56 : i32
      %add3A_58 = arith.constant 2 : i32
      %add3A_59 = arith.addi %add3A_57, %add3A_58 : i32
      %sub3A = arith.constant 1 : i32
      %sub3A_60 = arith.subi %add3A_59, %sub3A : i32
      %lt3A = arith.constant 40 : i32
      %lt3A_61 = arith.cmpi slt, %sub3A_60, %lt3A : i32
      %convert_element_type3A = arith.extui %lt3A_61 : i1 to i32
      %cond3A = arith.constant 0 : i32
      %cond3A_62 = arith.cmpi ne, %convert_element_type3A, %cond3A : i32
      scf.if %cond3A_62 {
        %dma_start3A_93 = arith.constant 0 : i32
        %dma_start3A_94 = tpu.memref_slice %arg7[%sub3A_60, %dma_start3A_93] : memref<40x128xi32, #tpu.memory_space<vmem>> -> memref<1x128xi32, #tpu.memory_space<vmem>>
        %dma_start3A_95 = tpu.memref_squeeze %dma_start3A_94 : memref<1x128xi32, #tpu.memory_space<vmem>> -> memref<128xi32, #tpu.memory_space<vmem>>
        %dma_start3A_96 = arith.constant 0 : i32
        %dma_start3A_97 = arith.constant 0 : i32
        %dma_start3A_98 = tpu.memref_slice %arg2[%dma_start3A_96, %dma_start3A_97] : memref<10240x128xf32, #tpu.memory_space<hbm>> -> memref<10240x128xf32, #tpu.memory_space<hbm>>
        tpu.enqueue_indirect_dma source(%dma_start3A_98 : memref<10240x128xf32, #tpu.memory_space<hbm>>) target(%arg10 : memref<128x128xf32, #tpu.memory_space<vmem>>) offsets(%dma_start3A_95 : memref<128xi32, #tpu.memory_space<vmem>>) semaphore(%arg12 : memref<!tpu.dma_semaphore, #tpu.memory_space<semaphore_mem>>)
      } else {
      }
      %add3A_63 = arith.constant 0 : i32
      %add3A_64 = arith.addi %add3A_55, %add3A_63 : i32
      %dma_wait3A = arith.constant 0 : i32
      %dma_wait3A_65 = tpu.memref_slice %arg7[%add3A_64, %dma_wait3A] : memref<40x128xi32, #tpu.memory_space<vmem>> -> memref<1x128xi32, #tpu.memory_space<vmem>>
      %dma_wait3A_66 = tpu.memref_squeeze %dma_wait3A_65 : memref<1x128xi32, #tpu.memory_space<vmem>> -> memref<128xi32, #tpu.memory_space<vmem>>
      %dma_wait3A_67 = arith.constant 0 : i32
      %dma_wait3A_68 = arith.constant 0 : i32
      %dma_wait3A_69 = tpu.memref_slice %arg2[%dma_wait3A_67, %dma_wait3A_68] : memref<10240x128xf32, #tpu.memory_space<hbm>> -> memref<10240x128xf32, #tpu.memory_space<hbm>>
      tpu.wait_indirect_dma semaphore(%arg11 : memref<!tpu.dma_semaphore, #tpu.memory_space<semaphore_mem>>) src(%dma_wait3A_69 : memref<10240x128xf32, #tpu.memory_space<hbm>>) dst(%arg9 : memref<128x128xf32, #tpu.memory_space<vmem>>)
      %add3A_70 = arith.constant 0 : i32
      %add3A_71 = arith.addi %add3A_55, %add3A_70 : i32
      "tpu.region"() ({
        %run_scoped3A = tpu.sem_alloc : memref<!tpu.dma_semaphore, #tpu.memory_space<semaphore_mem>>
        %dma_start3A_93 = arith.constant 0 : i32
        %dma_start3A_94 = tpu.memref_slice %arg8[%add3A_71, %dma_start3A_93] : memref<40x128xi32, #tpu.memory_space<vmem>> -> memref<1x128xi32, #tpu.memory_space<vmem>>
        %dma_start3A_95 = tpu.memref_squeeze %dma_start3A_94 : memref<1x128xi32, #tpu.memory_space<vmem>> -> memref<128xi32, #tpu.memory_space<vmem>>
        %dma_start3A_96 = arith.constant 0 : i32
        %dma_start3A_97 = arith.constant 0 : i32
        %dma_start3A_98 = tpu.memref_slice %arg13[%dma_start3A_96, %dma_start3A_97] : memref<10240x128xf32, #tpu.memory_space<vmem_shared>> -> memref<10240x128xf32, #tpu.memory_space<vmem_shared>>
        tpu.enqueue_indirect_dma source(%arg9 : memref<128x128xf32, #tpu.memory_space<vmem>>) target(%dma_start3A_98 : memref<10240x128xf32, #tpu.memory_space<vmem_shared>>) offsets(%dma_start3A_95 : memref<128xi32, #tpu.memory_space<vmem>>) semaphore(%run_scoped3A : memref<!tpu.dma_semaphore, #tpu.memory_space<semaphore_mem>>) {add = true}
        %dma_wait3A_99 = arith.constant 0 : i32
        %dma_wait3A_100 = tpu.memref_slice %arg8[%add3A_71, %dma_wait3A_99] : memref<40x128xi32, #tpu.memory_space<vmem>> -> memref<1x128xi32, #tpu.memory_space<vmem>>
        %dma_wait3A_101 = tpu.memref_squeeze %dma_wait3A_100 : memref<1x128xi32, #tpu.memory_space<vmem>> -> memref<128xi32, #tpu.memory_space<vmem>>
        %dma_wait3A_102 = arith.constant 0 : i32
        %dma_wait3A_103 = arith.constant 0 : i32
        %dma_wait3A_104 = tpu.memref_slice %arg13[%dma_wait3A_102, %dma_wait3A_103] : memref<10240x128xf32, #tpu.memory_space<vmem_shared>> -> memref<10240x128xf32, #tpu.memory_space<vmem_shared>>
        tpu.wait_indirect_dma semaphore(%run_scoped3A : memref<!tpu.dma_semaphore, #tpu.memory_space<semaphore_mem>>) src(%arg9 : memref<128x128xf32, #tpu.memory_space<vmem>>) dst(%dma_wait3A_104 : memref<10240x128xf32, #tpu.memory_space<vmem_shared>>)
        tpu.yield
      }) : () -> ()
      %add3A_72 = arith.constant 1 : i32
      %add3A_73 = arith.addi %add3A_55, %add3A_72 : i32
      %add3A_74 = arith.constant 2 : i32
      %add3A_75 = arith.addi %add3A_73, %add3A_74 : i32
      %sub3A_76 = arith.constant 1 : i32
      %sub3A_77 = arith.subi %add3A_75, %sub3A_76 : i32
      %lt3A_78 = arith.constant 40 : i32
      %lt3A_79 = arith.cmpi slt, %sub3A_77, %lt3A_78 : i32
      %convert_element_type3A_80 = arith.extui %lt3A_79 : i1 to i32
      %cond3A_81 = arith.constant 0 : i32
      %cond3A_82 = arith.cmpi ne, %convert_element_type3A_80, %cond3A_81 : i32
      scf.if %cond3A_82 {
        %dma_start3A_93 = arith.constant 0 : i32
        %dma_start3A_94 = tpu.memref_slice %arg7[%sub3A_77, %dma_start3A_93] : memref<40x128xi32, #tpu.memory_space<vmem>> -> memref<1x128xi32, #tpu.memory_space<vmem>>
        %dma_start3A_95 = tpu.memref_squeeze %dma_start3A_94 : memref<1x128xi32, #tpu.memory_space<vmem>> -> memref<128xi32, #tpu.memory_space<vmem>>
        %dma_start3A_96 = arith.constant 0 : i32
        %dma_start3A_97 = arith.constant 0 : i32
        %dma_start3A_98 = tpu.memref_slice %arg2[%dma_start3A_96, %dma_start3A_97] : memref<10240x128xf32, #tpu.memory_space<hbm>> -> memref<10240x128xf32, #tpu.memory_space<hbm>>
        tpu.enqueue_indirect_dma source(%dma_start3A_98 : memref<10240x128xf32, #tpu.memory_space<hbm>>) target(%arg9 : memref<128x128xf32, #tpu.memory_space<vmem>>) offsets(%dma_start3A_95 : memref<128xi32, #tpu.memory_space<vmem>>) semaphore(%arg11 : memref<!tpu.dma_semaphore, #tpu.memory_space<semaphore_mem>>)
      } else {
      }
      %add3A_83 = arith.constant 1 : i32
      %add3A_84 = arith.addi %add3A_55, %add3A_83 : i32
      %dma_wait3A_85 = arith.constant 0 : i32
      %dma_wait3A_86 = tpu.memref_slice %arg7[%add3A_84, %dma_wait3A_85] : memref<40x128xi32, #tpu.memory_space<vmem>> -> memref<1x128xi32, #tpu.memory_space<vmem>>
      %dma_wait3A_87 = tpu.memref_squeeze %dma_wait3A_86 : memref<1x128xi32, #tpu.memory_space<vmem>> -> memref<128xi32, #tpu.memory_space<vmem>>
      %dma_wait3A_88 = arith.constant 0 : i32
      %dma_wait3A_89 = arith.constant 0 : i32
      %dma_wait3A_90 = tpu.memref_slice %arg2[%dma_wait3A_88, %dma_wait3A_89] : memref<10240x128xf32, #tpu.memory_space<hbm>> -> memref<10240x128xf32, #tpu.memory_space<hbm>>
      tpu.wait_indirect_dma semaphore(%arg12 : memref<!tpu.dma_semaphore, #tpu.memory_space<semaphore_mem>>) src(%dma_wait3A_90 : memref<10240x128xf32, #tpu.memory_space<hbm>>) dst(%arg10 : memref<128x128xf32, #tpu.memory_space<vmem>>)
      %add3A_91 = arith.constant 1 : i32
      %add3A_92 = arith.addi %add3A_55, %add3A_91 : i32
      "tpu.region"() ({
        %run_scoped3A = tpu.sem_alloc : memref<!tpu.dma_semaphore, #tpu.memory_space<semaphore_mem>>
        %dma_start3A_93 = arith.constant 0 : i32
        %dma_start3A_94 = tpu.memref_slice %arg8[%add3A_92, %dma_start3A_93] : memref<40x128xi32, #tpu.memory_space<vmem>> -> memref<1x128xi32, #tpu.memory_space<vmem>>
        %dma_start3A_95 = tpu.memref_squeeze %dma_start3A_94 : memref<1x128xi32, #tpu.memory_space<vmem>> -> memref<128xi32, #tpu.memory_space<vmem>>
        %dma_start3A_96 = arith.constant 0 : i32
        %dma_start3A_97 = arith.constant 0 : i32
        %dma_start3A_98 = tpu.memref_slice %arg13[%dma_start3A_96, %dma_start3A_97] : memref<10240x128xf32, #tpu.memory_space<vmem_shared>> -> memref<10240x128xf32, #tpu.memory_space<vmem_shared>>
        tpu.enqueue_indirect_dma source(%arg10 : memref<128x128xf32, #tpu.memory_space<vmem>>) target(%dma_start3A_98 : memref<10240x128xf32, #tpu.memory_space<vmem_shared>>) offsets(%dma_start3A_95 : memref<128xi32, #tpu.memory_space<vmem>>) semaphore(%run_scoped3A : memref<!tpu.dma_semaphore, #tpu.memory_space<semaphore_mem>>) {add = true}
        %dma_wait3A_99 = arith.constant 0 : i32
        %dma_wait3A_100 = tpu.memref_slice %arg8[%add3A_92, %dma_wait3A_99] : memref<40x128xi32, #tpu.memory_space<vmem>> -> memref<1x128xi32, #tpu.memory_space<vmem>>
        %dma_wait3A_101 = tpu.memref_squeeze %dma_wait3A_100 : memref<1x128xi32, #tpu.memory_space<vmem>> -> memref<128xi32, #tpu.memory_space<vmem>>
        %dma_wait3A_102 = arith.constant 0 : i32
        %dma_wait3A_103 = arith.constant 0 : i32
        %dma_wait3A_104 = tpu.memref_slice %arg13[%dma_wait3A_102, %dma_wait3A_103] : memref<10240x128xf32, #tpu.memory_space<vmem_shared>> -> memref<10240x128xf32, #tpu.memory_space<vmem_shared>>
        tpu.wait_indirect_dma semaphore(%run_scoped3A : memref<!tpu.dma_semaphore, #tpu.memory_space<semaphore_mem>>) src(%arg10 : memref<128x128xf32, #tpu.memory_space<vmem>>) dst(%dma_wait3A_104 : memref<10240x128xf32, #tpu.memory_space<vmem_shared>>)
        tpu.yield
      }) : () -> ()
    }
    %scan3A_42 = arith.constant 20 : i32
    %barrier3A_43 = arith.constant 0 : index
    tpu.barrier barrier_id(%barrier3A_43)
    %mul3A_44 = arith.constant 640 : i32
    %mul3A_45 = arith.muli %arg1, %mul3A_44 : i32
    %mul3A_46 = arith.constant 10240 : i32
    %mul3A_47 = arith.muli %arg0, %mul3A_46 : i32
    %mul3A_48 = arith.constant 640 : i32
    %mul3A_49 = arith.muli %arg1, %mul3A_48 : i32
    %add3A_50 = arith.addi %mul3A_47, %mul3A_49 : i32
    "tpu.region"() ({
      %run_scoped3A = tpu.sem_alloc : memref<!tpu.dma_semaphore, #tpu.memory_space<semaphore_mem>>
      %dma_start3A_51 = arith.constant 0 : i32
      %dma_start3A_52 = tpu.memref_slice %arg6[%add3A_50, %dma_start3A_51] : memref<20480x128xf32, #tpu.memory_space<hbm>> -> memref<640x128xf32, #tpu.memory_space<hbm>>
      %dma_start3A_53 = arith.constant 0 : i32
      %dma_start3A_54 = tpu.memref_slice %arg13[%mul3A_45, %dma_start3A_53] : memref<10240x128xf32, #tpu.memory_space<vmem_shared>> -> memref<640x128xf32, #tpu.memory_space<vmem_shared>>
      tpu.enqueue_dma source(%dma_start3A_54 : memref<640x128xf32, #tpu.memory_space<vmem_shared>>) target(%dma_start3A_52 : memref<640x128xf32, #tpu.memory_space<hbm>>) target_semaphore(%run_scoped3A : memref<!tpu.dma_semaphore, #tpu.memory_space<semaphore_mem>>)
      %dma_wait3A = arith.constant 0 : i32
      %dma_wait3A_55 = tpu.memref_slice %arg6[%add3A_50, %dma_wait3A] : memref<20480x128xf32, #tpu.memory_space<hbm>> -> memref<640x128xf32, #tpu.memory_space<hbm>>
      %dma_wait3A_56 = arith.constant 0 : i32
      %dma_wait3A_57 = tpu.memref_slice %arg13[%mul3A_45, %dma_wait3A_56] : memref<10240x128xf32, #tpu.memory_space<vmem_shared>> -> memref<640x128xf32, #tpu.memory_space<vmem_shared>>
      tpu.wait_dma2 semaphore(%run_scoped3A : memref<!tpu.dma_semaphore, #tpu.memory_space<semaphore_mem>>) src(%dma_wait3A_57 : memref<640x128xf32, #tpu.memory_space<vmem_shared>>) dst(%dma_wait3A_55 : memref<640x128xf32, #tpu.memory_space<hbm>>)
      tpu.yield
    }) : () -> ()
    return
  }
}

#map = affine_map<(d0, d1) -> (0, 0, 0)>
#map1 = affine_map<(d0, d1) -> (0, 0)>
module attributes {stable_mosaic.version = 14 : i64} {
  func.func @_sc_degree(%arg0: i32, %arg1: i32, %arg2: memref<64x40x128xi32, #tpu.memory_space<hbm>>, %arg3: memref<128x128xf32, #tpu.memory_space<hbm>>, %arg4: memref<10240x128xf32, #tpu.memory_space<hbm>>, %arg5: memref<20480x128xf32, #tpu.memory_space<hbm>>, %arg6: memref<40x128xi32, #tpu.memory_space<vmem>>, %arg7: memref<128x128xf32, #tpu.memory_space<vmem>>, %arg8: memref<10240x128xf32, #tpu.memory_space<vmem_shared>>) attributes {dimension_semantics = [#tpu.dimension_semantics<core_parallel>, #tpu.dimension_semantics<subcore_parallel>], iteration_bounds = array<i64: 2, 16>, scalar_prefetch = 0 : i64, scratch_operands = 3 : i64, tpu.core_type = #tpu.core_type<sc_vector_subcore>, window_params = [{transform_indices = #map}, {transform_indices = #map1}, {transform_indices = #map1}, {transform_indices = #map1}]} {
    %mul3A = arith.constant 16 : i32
    %mul3A_0 = arith.muli %arg0, %mul3A : i32
    %add3A = arith.addi %mul3A_0, %arg1 : i32
    %mul3A_1 = arith.constant 640 : i32
    %mul3A_2 = arith.muli %arg1, %mul3A_1 : i32
    %mul3A_3 = arith.constant 640 : i32
    %mul3A_4 = arith.muli %arg1, %mul3A_3 : i32
    "tpu.region"() ({
      %run_scoped3A = tpu.sem_alloc : memref<!tpu.dma_semaphore, #tpu.memory_space<semaphore_mem>>
      %dma_start3A = arith.constant 0 : i32
      %dma_start3A_30 = tpu.memref_slice %arg8[%mul3A_4, %dma_start3A] : memref<10240x128xf32, #tpu.memory_space<vmem_shared>> -> memref<640x128xf32, #tpu.memory_space<vmem_shared>>
      %dma_start3A_31 = arith.constant 0 : i32
      %dma_start3A_32 = tpu.memref_slice %arg4[%mul3A_2, %dma_start3A_31] : memref<10240x128xf32, #tpu.memory_space<hbm>> -> memref<640x128xf32, #tpu.memory_space<hbm>>
      tpu.enqueue_dma source(%dma_start3A_32 : memref<640x128xf32, #tpu.memory_space<hbm>>) target(%dma_start3A_30 : memref<640x128xf32, #tpu.memory_space<vmem_shared>>) target_semaphore(%run_scoped3A : memref<!tpu.dma_semaphore, #tpu.memory_space<semaphore_mem>>)
      %dma_wait3A = arith.constant 0 : i32
      %dma_wait3A_33 = tpu.memref_slice %arg8[%mul3A_4, %dma_wait3A] : memref<10240x128xf32, #tpu.memory_space<vmem_shared>> -> memref<640x128xf32, #tpu.memory_space<vmem_shared>>
      %dma_wait3A_34 = arith.constant 0 : i32
      %dma_wait3A_35 = tpu.memref_slice %arg4[%mul3A_2, %dma_wait3A_34] : memref<10240x128xf32, #tpu.memory_space<hbm>> -> memref<640x128xf32, #tpu.memory_space<hbm>>
      tpu.wait_dma2 semaphore(%run_scoped3A : memref<!tpu.dma_semaphore, #tpu.memory_space<semaphore_mem>>) src(%dma_wait3A_35 : memref<640x128xf32, #tpu.memory_space<hbm>>) dst(%dma_wait3A_33 : memref<640x128xf32, #tpu.memory_space<vmem_shared>>)
      tpu.yield
    }) : () -> ()
    "tpu.region"() ({
      %run_scoped3A = tpu.sem_alloc : memref<!tpu.dma_semaphore, #tpu.memory_space<semaphore_mem>>
      tpu.enqueue_dma source(%arg3 : memref<128x128xf32, #tpu.memory_space<hbm>>) target(%arg7 : memref<128x128xf32, #tpu.memory_space<vmem>>) target_semaphore(%run_scoped3A : memref<!tpu.dma_semaphore, #tpu.memory_space<semaphore_mem>>)
      tpu.wait_dma2 semaphore(%run_scoped3A : memref<!tpu.dma_semaphore, #tpu.memory_space<semaphore_mem>>) src(%arg3 : memref<128x128xf32, #tpu.memory_space<hbm>>) dst(%arg7 : memref<128x128xf32, #tpu.memory_space<vmem>>)
      tpu.yield
    }) : () -> ()
    %barrier3A = arith.constant 0 : index
    tpu.barrier barrier_id(%barrier3A)
    %mul3A_5 = arith.constant 2 : i32
    %mul3A_6 = arith.muli %mul3A_5, %add3A : i32
    %add3A_7 = arith.constant 0 : i32
    %add3A_8 = arith.addi %mul3A_6, %add3A_7 : i32
    "tpu.region"() ({
      %run_scoped3A = tpu.sem_alloc : memref<!tpu.dma_semaphore, #tpu.memory_space<semaphore_mem>>
      %dma_start3A = arith.constant 0 : i32
      %dma_start3A_30 = arith.constant 0 : i32
      %dma_start3A_31 = tpu.memref_slice %arg2[%add3A_8, %dma_start3A, %dma_start3A_30] : memref<64x40x128xi32, #tpu.memory_space<hbm>> -> memref<1x40x128xi32, #tpu.memory_space<hbm>>
      %dma_start3A_32 = tpu.memref_squeeze %dma_start3A_31 : memref<1x40x128xi32, #tpu.memory_space<hbm>> -> memref<40x128xi32, #tpu.memory_space<hbm>>
      %dma_start3A_33 = arith.constant 0 : i32
      %dma_start3A_34 = arith.constant 0 : i32
      %dma_start3A_35 = tpu.memref_slice %arg2[%add3A_8, %dma_start3A_33, %dma_start3A_34] : memref<64x40x128xi32, #tpu.memory_space<hbm>> -> memref<1x40x128xi32, #tpu.memory_space<hbm>>
      %dma_start3A_36 = tpu.memref_squeeze %dma_start3A_35 : memref<1x40x128xi32, #tpu.memory_space<hbm>> -> memref<40x128xi32, #tpu.memory_space<hbm>>
      tpu.enqueue_dma source(%dma_start3A_36 : memref<40x128xi32, #tpu.memory_space<hbm>>) target(%arg6 : memref<40x128xi32, #tpu.memory_space<vmem>>) target_semaphore(%run_scoped3A : memref<!tpu.dma_semaphore, #tpu.memory_space<semaphore_mem>>)
      %dma_wait3A = arith.constant 0 : i32
      %dma_wait3A_37 = arith.constant 0 : i32
      %dma_wait3A_38 = tpu.memref_slice %arg2[%add3A_8, %dma_wait3A, %dma_wait3A_37] : memref<64x40x128xi32, #tpu.memory_space<hbm>> -> memref<1x40x128xi32, #tpu.memory_space<hbm>>
      %dma_wait3A_39 = tpu.memref_squeeze %dma_wait3A_38 : memref<1x40x128xi32, #tpu.memory_space<hbm>> -> memref<40x128xi32, #tpu.memory_space<hbm>>
      %dma_wait3A_40 = arith.constant 0 : i32
      %dma_wait3A_41 = arith.constant 0 : i32
      %dma_wait3A_42 = tpu.memref_slice %arg2[%add3A_8, %dma_wait3A_40, %dma_wait3A_41] : memref<64x40x128xi32, #tpu.memory_space<hbm>> -> memref<1x40x128xi32, #tpu.memory_space<hbm>>
      %dma_wait3A_43 = tpu.memref_squeeze %dma_wait3A_42 : memref<1x40x128xi32, #tpu.memory_space<hbm>> -> memref<40x128xi32, #tpu.memory_space<hbm>>
      tpu.wait_dma2 semaphore(%run_scoped3A : memref<!tpu.dma_semaphore, #tpu.memory_space<semaphore_mem>>) src(%dma_wait3A_43 : memref<40x128xi32, #tpu.memory_space<hbm>>) dst(%arg6 : memref<40x128xi32, #tpu.memory_space<vmem>>)
      tpu.yield
    }) : () -> ()
    %scan3A = arith.constant 0 : i32
    %scan3A_9 = arith.constant 40 : i32
    %scan3A_10 = arith.addi %scan3A, %scan3A_9 : i32
    %scan3A_11 = arith.constant 1 : i32
    scf.for %scan3A_30 = %scan3A to %scan3A_10 step %scan3A_11  : i32 {
      %mul3A_31 = arith.constant 1 : i32
      %mul3A_32 = arith.muli %scan3A_30, %mul3A_31 : i32
      %add3A_33 = arith.constant 0 : i32
      %add3A_34 = arith.addi %add3A_33, %mul3A_32 : i32
      "tpu.region"() ({
        %run_scoped3A = tpu.sem_alloc : memref<!tpu.dma_semaphore, #tpu.memory_space<semaphore_mem>>
        %dma_start3A = arith.constant 0 : i32
        %dma_start3A_35 = tpu.memref_slice %arg6[%add3A_34, %dma_start3A] : memref<40x128xi32, #tpu.memory_space<vmem>> -> memref<1x128xi32, #tpu.memory_space<vmem>>
        %dma_start3A_36 = tpu.memref_squeeze %dma_start3A_35 : memref<1x128xi32, #tpu.memory_space<vmem>> -> memref<128xi32, #tpu.memory_space<vmem>>
        %dma_start3A_37 = arith.constant 0 : i32
        %dma_start3A_38 = arith.constant 0 : i32
        %dma_start3A_39 = tpu.memref_slice %arg8[%dma_start3A_37, %dma_start3A_38] : memref<10240x128xf32, #tpu.memory_space<vmem_shared>> -> memref<10240x128xf32, #tpu.memory_space<vmem_shared>>
        tpu.enqueue_indirect_dma source(%arg7 : memref<128x128xf32, #tpu.memory_space<vmem>>) target(%dma_start3A_39 : memref<10240x128xf32, #tpu.memory_space<vmem_shared>>) offsets(%dma_start3A_36 : memref<128xi32, #tpu.memory_space<vmem>>) semaphore(%run_scoped3A : memref<!tpu.dma_semaphore, #tpu.memory_space<semaphore_mem>>) {add = true}
        %dma_wait3A = arith.constant 0 : i32
        %dma_wait3A_40 = tpu.memref_slice %arg6[%add3A_34, %dma_wait3A] : memref<40x128xi32, #tpu.memory_space<vmem>> -> memref<1x128xi32, #tpu.memory_space<vmem>>
        %dma_wait3A_41 = tpu.memref_squeeze %dma_wait3A_40 : memref<1x128xi32, #tpu.memory_space<vmem>> -> memref<128xi32, #tpu.memory_space<vmem>>
        %dma_wait3A_42 = arith.constant 0 : i32
        %dma_wait3A_43 = arith.constant 0 : i32
        %dma_wait3A_44 = tpu.memref_slice %arg8[%dma_wait3A_42, %dma_wait3A_43] : memref<10240x128xf32, #tpu.memory_space<vmem_shared>> -> memref<10240x128xf32, #tpu.memory_space<vmem_shared>>
        tpu.wait_indirect_dma semaphore(%run_scoped3A : memref<!tpu.dma_semaphore, #tpu.memory_space<semaphore_mem>>) src(%arg7 : memref<128x128xf32, #tpu.memory_space<vmem>>) dst(%dma_wait3A_44 : memref<10240x128xf32, #tpu.memory_space<vmem_shared>>)
        tpu.yield
      }) : () -> ()
    }
    %scan3A_12 = arith.constant 40 : i32
    %mul3A_13 = arith.constant 2 : i32
    %mul3A_14 = arith.muli %mul3A_13, %add3A : i32
    %add3A_15 = arith.constant 1 : i32
    %add3A_16 = arith.addi %mul3A_14, %add3A_15 : i32
    "tpu.region"() ({
      %run_scoped3A = tpu.sem_alloc : memref<!tpu.dma_semaphore, #tpu.memory_space<semaphore_mem>>
      %dma_start3A = arith.constant 0 : i32
      %dma_start3A_30 = arith.constant 0 : i32
      %dma_start3A_31 = tpu.memref_slice %arg2[%add3A_16, %dma_start3A, %dma_start3A_30] : memref<64x40x128xi32, #tpu.memory_space<hbm>> -> memref<1x40x128xi32, #tpu.memory_space<hbm>>
      %dma_start3A_32 = tpu.memref_squeeze %dma_start3A_31 : memref<1x40x128xi32, #tpu.memory_space<hbm>> -> memref<40x128xi32, #tpu.memory_space<hbm>>
      %dma_start3A_33 = arith.constant 0 : i32
      %dma_start3A_34 = arith.constant 0 : i32
      %dma_start3A_35 = tpu.memref_slice %arg2[%add3A_16, %dma_start3A_33, %dma_start3A_34] : memref<64x40x128xi32, #tpu.memory_space<hbm>> -> memref<1x40x128xi32, #tpu.memory_space<hbm>>
      %dma_start3A_36 = tpu.memref_squeeze %dma_start3A_35 : memref<1x40x128xi32, #tpu.memory_space<hbm>> -> memref<40x128xi32, #tpu.memory_space<hbm>>
      tpu.enqueue_dma source(%dma_start3A_36 : memref<40x128xi32, #tpu.memory_space<hbm>>) target(%arg6 : memref<40x128xi32, #tpu.memory_space<vmem>>) target_semaphore(%run_scoped3A : memref<!tpu.dma_semaphore, #tpu.memory_space<semaphore_mem>>)
      %dma_wait3A = arith.constant 0 : i32
      %dma_wait3A_37 = arith.constant 0 : i32
      %dma_wait3A_38 = tpu.memref_slice %arg2[%add3A_16, %dma_wait3A, %dma_wait3A_37] : memref<64x40x128xi32, #tpu.memory_space<hbm>> -> memref<1x40x128xi32, #tpu.memory_space<hbm>>
      %dma_wait3A_39 = tpu.memref_squeeze %dma_wait3A_38 : memref<1x40x128xi32, #tpu.memory_space<hbm>> -> memref<40x128xi32, #tpu.memory_space<hbm>>
      %dma_wait3A_40 = arith.constant 0 : i32
      %dma_wait3A_41 = arith.constant 0 : i32
      %dma_wait3A_42 = tpu.memref_slice %arg2[%add3A_16, %dma_wait3A_40, %dma_wait3A_41] : memref<64x40x128xi32, #tpu.memory_space<hbm>> -> memref<1x40x128xi32, #tpu.memory_space<hbm>>
      %dma_wait3A_43 = tpu.memref_squeeze %dma_wait3A_42 : memref<1x40x128xi32, #tpu.memory_space<hbm>> -> memref<40x128xi32, #tpu.memory_space<hbm>>
      tpu.wait_dma2 semaphore(%run_scoped3A : memref<!tpu.dma_semaphore, #tpu.memory_space<semaphore_mem>>) src(%dma_wait3A_43 : memref<40x128xi32, #tpu.memory_space<hbm>>) dst(%arg6 : memref<40x128xi32, #tpu.memory_space<vmem>>)
      tpu.yield
    }) : () -> ()
    %scan3A_17 = arith.constant 0 : i32
    %scan3A_18 = arith.constant 40 : i32
    %scan3A_19 = arith.addi %scan3A_17, %scan3A_18 : i32
    %scan3A_20 = arith.constant 1 : i32
    scf.for %scan3A_30 = %scan3A_17 to %scan3A_19 step %scan3A_20  : i32 {
      %mul3A_31 = arith.constant 1 : i32
      %mul3A_32 = arith.muli %scan3A_30, %mul3A_31 : i32
      %add3A_33 = arith.constant 0 : i32
      %add3A_34 = arith.addi %add3A_33, %mul3A_32 : i32
      "tpu.region"() ({
        %run_scoped3A = tpu.sem_alloc : memref<!tpu.dma_semaphore, #tpu.memory_space<semaphore_mem>>
        %dma_start3A = arith.constant 0 : i32
        %dma_start3A_35 = tpu.memref_slice %arg6[%add3A_34, %dma_start3A] : memref<40x128xi32, #tpu.memory_space<vmem>> -> memref<1x128xi32, #tpu.memory_space<vmem>>
        %dma_start3A_36 = tpu.memref_squeeze %dma_start3A_35 : memref<1x128xi32, #tpu.memory_space<vmem>> -> memref<128xi32, #tpu.memory_space<vmem>>
        %dma_start3A_37 = arith.constant 0 : i32
        %dma_start3A_38 = arith.constant 0 : i32
        %dma_start3A_39 = tpu.memref_slice %arg8[%dma_start3A_37, %dma_start3A_38] : memref<10240x128xf32, #tpu.memory_space<vmem_shared>> -> memref<10240x128xf32, #tpu.memory_space<vmem_shared>>
        tpu.enqueue_indirect_dma source(%arg7 : memref<128x128xf32, #tpu.memory_space<vmem>>) target(%dma_start3A_39 : memref<10240x128xf32, #tpu.memory_space<vmem_shared>>) offsets(%dma_start3A_36 : memref<128xi32, #tpu.memory_space<vmem>>) semaphore(%run_scoped3A : memref<!tpu.dma_semaphore, #tpu.memory_space<semaphore_mem>>) {add = true}
        %dma_wait3A = arith.constant 0 : i32
        %dma_wait3A_40 = tpu.memref_slice %arg6[%add3A_34, %dma_wait3A] : memref<40x128xi32, #tpu.memory_space<vmem>> -> memref<1x128xi32, #tpu.memory_space<vmem>>
        %dma_wait3A_41 = tpu.memref_squeeze %dma_wait3A_40 : memref<1x128xi32, #tpu.memory_space<vmem>> -> memref<128xi32, #tpu.memory_space<vmem>>
        %dma_wait3A_42 = arith.constant 0 : i32
        %dma_wait3A_43 = arith.constant 0 : i32
        %dma_wait3A_44 = tpu.memref_slice %arg8[%dma_wait3A_42, %dma_wait3A_43] : memref<10240x128xf32, #tpu.memory_space<vmem_shared>> -> memref<10240x128xf32, #tpu.memory_space<vmem_shared>>
        tpu.wait_indirect_dma semaphore(%run_scoped3A : memref<!tpu.dma_semaphore, #tpu.memory_space<semaphore_mem>>) src(%arg7 : memref<128x128xf32, #tpu.memory_space<vmem>>) dst(%dma_wait3A_44 : memref<10240x128xf32, #tpu.memory_space<vmem_shared>>)
        tpu.yield
      }) : () -> ()
    }
    %scan3A_21 = arith.constant 40 : i32
    %barrier3A_22 = arith.constant 0 : index
    tpu.barrier barrier_id(%barrier3A_22)
    %mul3A_23 = arith.constant 640 : i32
    %mul3A_24 = arith.muli %arg1, %mul3A_23 : i32
    %mul3A_25 = arith.constant 10240 : i32
    %mul3A_26 = arith.muli %arg0, %mul3A_25 : i32
    %mul3A_27 = arith.constant 640 : i32
    %mul3A_28 = arith.muli %arg1, %mul3A_27 : i32
    %add3A_29 = arith.addi %mul3A_26, %mul3A_28 : i32
    "tpu.region"() ({
      %run_scoped3A = tpu.sem_alloc : memref<!tpu.dma_semaphore, #tpu.memory_space<semaphore_mem>>
      %dma_start3A = arith.constant 0 : i32
      %dma_start3A_30 = tpu.memref_slice %arg5[%add3A_29, %dma_start3A] : memref<20480x128xf32, #tpu.memory_space<hbm>> -> memref<640x128xf32, #tpu.memory_space<hbm>>
      %dma_start3A_31 = arith.constant 0 : i32
      %dma_start3A_32 = tpu.memref_slice %arg8[%mul3A_24, %dma_start3A_31] : memref<10240x128xf32, #tpu.memory_space<vmem_shared>> -> memref<640x128xf32, #tpu.memory_space<vmem_shared>>
      tpu.enqueue_dma source(%dma_start3A_32 : memref<640x128xf32, #tpu.memory_space<vmem_shared>>) target(%dma_start3A_30 : memref<640x128xf32, #tpu.memory_space<hbm>>) target_semaphore(%run_scoped3A : memref<!tpu.dma_semaphore, #tpu.memory_space<semaphore_mem>>)
      %dma_wait3A = arith.constant 0 : i32
      %dma_wait3A_33 = tpu.memref_slice %arg5[%add3A_29, %dma_wait3A] : memref<20480x128xf32, #tpu.memory_space<hbm>> -> memref<640x128xf32, #tpu.memory_space<hbm>>
      %dma_wait3A_34 = arith.constant 0 : i32
      %dma_wait3A_35 = tpu.memref_slice %arg8[%mul3A_24, %dma_wait3A_34] : memref<10240x128xf32, #tpu.memory_space<vmem_shared>> -> memref<640x128xf32, #tpu.memory_space<vmem_shared>>
      tpu.wait_dma2 semaphore(%run_scoped3A : memref<!tpu.dma_semaphore, #tpu.memory_space<semaphore_mem>>) src(%dma_wait3A_35 : memref<640x128xf32, #tpu.memory_space<vmem_shared>>) dst(%dma_wait3A_33 : memref<640x128xf32, #tpu.memory_space<hbm>>)
      tpu.yield
    }) : () -> ()
    return
  }
}

module attributes {stable_mosaic.version = 14 : i64} {
  func.func @_tc_prep_body(%arg0: i32, %arg1: memref<2048x128xf32, #tpu.memory_space<vmem>>, %arg2: memref<2048x128xf32, #tpu.memory_space<vmem>>, %arg3: memref<2048x128xf32, #tpu.memory_space<vmem>>, %arg4: memref<2048x128xf32, #tpu.memory_space<vmem>>, %arg5: memref<2048x128xf32, #tpu.memory_space<vmem>>, %arg6: memref<2048x8xf32, #tpu.memory_space<vmem>>, %arg7: memref<8x128xf32, #tpu.memory_space<vmem>>) attributes {dimension_semantics = [#tpu.dimension_semantics<arbitrary>], iteration_bounds = array<i64: 5>, scalar_prefetch = 0 : i64, scratch_operands = 0 : i64, tpu.core_type = #tpu.core_type<tc>, window_params = [{transform_indices = @transform_0, window_bounds = array<i64: 2048, 128>}, {transform_indices = @transform_1, window_bounds = array<i64: 2048, 128>}, {transform_indices = @transform_2, window_bounds = array<i64: 2048, 128>}, {transform_indices = @transform_3, window_bounds = array<i64: 2048, 128>}, {transform_indices = @transform_4, window_bounds = array<i64: 2048, 128>}, {transform_indices = @transform_5, window_bounds = array<i64: 2048, 8>}, {pipeline_mode = #tpu.pipeline_mode<synchronous>, transform_indices = @transform_6, window_bounds = array<i64: 8, 128>}]} {
    %mul3A = arith.constant 2048 : i32
    %mul3A_0 = arith.muli %arg0, %mul3A : i32
    %iota3A = tpu.iota {dimensions = array<i32: 0>} : vector<2048x1xi32>
    %add3A = vector.broadcast %mul3A_0 : i32 to vector<2048x1xi32>
    %add3A_1 = arith.addi %add3A, %iota3A : vector<2048x1xi32>
    %get3A = arith.constant 0 : index
    %get3A_2 = arith.constant 0 : index
    %get3A_3 = vector.load %arg2[%get3A, %get3A_2] : memref<2048x128xf32, #tpu.memory_space<vmem>>, vector<2048x1xf32>
    %add3A_4 = arith.constant 1.000000e+00 : f32
    %add3A_5 = vector.broadcast %add3A_4 : f32 to vector<2048x1xf32>
    %add3A_6 = arith.addf %add3A_5, %get3A_3 : vector<2048x1xf32>
    %get3A_7 = arith.constant 0 : index
    %get3A_8 = arith.constant 0 : index
    %get3A_9 = vector.load %arg3[%get3A_7, %get3A_8] : memref<2048x128xf32, #tpu.memory_space<vmem>>, vector<2048x1xf32>
    %add3A_10 = arith.addf %add3A_6, %get3A_9 : vector<2048x1xf32>
    %eq3A = arith.constant 10000 : i32
    %eq3A_11 = vector.broadcast %eq3A : i32 to vector<2048x1xi32>
    %eq3A_12 = arith.cmpi eq, %add3A_1, %eq3A_11 : vector<2048x1xi32>
    %jit3A = arith.constant 1.000000e+04 : f32
    %jit3A_13 = arith.constant 0.000000e+00 : f32
    %broadcast_in_dim3A = vector.broadcast %jit3A : f32 to vector<2048x1xf32>
    %broadcast_in_dim3A_14 = vector.broadcast %jit3A_13 : f32 to vector<2048x1xf32>
    %select_n3A = arith.select %eq3A_12, %broadcast_in_dim3A, %broadcast_in_dim3A_14 : vector<2048x1xi1>, vector<2048x1xf32>
    %add3A_15 = arith.addf %add3A_10, %select_n3A : vector<2048x1xf32>
    %rsqrt3A = math.rsqrt %add3A_15 : vector<2048x1xf32>
    %get3A_16 = arith.constant 0 : index
    %get3A_17 = arith.constant 0 : index
    %get3A_18 = vector.load %arg1[%get3A_16, %get3A_17] : memref<2048x128xf32, #tpu.memory_space<vmem>>, vector<2048x128xf32>
    %mul3A_19 = vector.broadcast %rsqrt3A : vector<2048x1xf32> to vector<2048x128xf32>
    %mul3A_20 = arith.mulf %get3A_18, %mul3A_19 : vector<2048x128xf32>
    %swap3A = arith.constant 0 : index
    %swap3A_21 = arith.constant 0 : index
    %swap3A_22 = vector.load %arg4[%swap3A, %swap3A_21] : memref<2048x128xf32, #tpu.memory_space<vmem>>, vector<2048x128xf32>
    tpu.vector_store %arg4[%swap3A, %swap3A_21], %mul3A_20 {strides = array<i32>} : memref<2048x128xf32, #tpu.memory_space<vmem>>, vector<2048x128xf32>,
    %mul3A_23 = arith.mulf %rsqrt3A, %rsqrt3A : vector<2048x1xf32>
    %mul3A_24 = vector.broadcast %mul3A_23 : vector<2048x1xf32> to vector<2048x128xf32>
    %mul3A_25 = arith.mulf %get3A_18, %mul3A_24 : vector<2048x128xf32>
    %swap3A_26 = arith.constant 0 : index
    %swap3A_27 = arith.constant 0 : index
    %swap3A_28 = vector.load %arg5[%swap3A_26, %swap3A_27] : memref<2048x128xf32, #tpu.memory_space<vmem>>, vector<2048x128xf32>
    tpu.vector_store %arg5[%swap3A_26, %swap3A_27], %mul3A_25 {strides = array<i32>} : memref<2048x128xf32, #tpu.memory_space<vmem>>, vector<2048x128xf32>,
    %broadcast_in_dim3A_29 = vector.shape_cast %rsqrt3A : vector<2048x1xf32> to vector<2048x1xf32>
    %broadcast_in_dim3A_30 = vector.broadcast %broadcast_in_dim3A_29 : vector<2048x1xf32> to vector<2048x8xf32>
    %swap3A_31 = arith.constant 0 : index
    %swap3A_32 = arith.constant 0 : index
    %swap3A_33 = vector.load %arg6[%swap3A_31, %swap3A_32] : memref<2048x8xf32, #tpu.memory_space<vmem>>, vector<2048x8xf32>
    tpu.vector_store %arg6[%swap3A_31, %swap3A_32], %broadcast_in_dim3A_30 {strides = array<i32>} : memref<2048x8xf32, #tpu.memory_space<vmem>>, vector<2048x8xf32>,
    %lt3A = arith.constant 10000 : i32
    %lt3A_34 = vector.broadcast %lt3A : i32 to vector<2048x1xi32>
    %lt3A_35 = arith.cmpi slt, %add3A_1, %lt3A_34 : vector<2048x1xi32>
    %jit3A_36 = arith.constant 0.000000e+00 : f32
    %broadcast_in_dim3A_37 = vector.shape_cast %lt3A_35 : vector<2048x1xi1> to vector<2048x1xi1>
    %broadcast_in_dim3A_38 = vector.broadcast %broadcast_in_dim3A_37 : vector<2048x1xi1> to vector<2048x128xi1>
    %broadcast_in_dim3A_39 = vector.broadcast %jit3A_36 : f32 to vector<2048x128xf32>
    %select_n3A_40 = arith.select %broadcast_in_dim3A_38, %mul3A_20, %broadcast_in_dim3A_39 : vector<2048x128xi1>, vector<2048x128xf32>
    %reduce_sum3A = arith.constant dense<0.000000e+00> : vector<128xf32>
    %reduce_sum3A_41 = vector.multi_reduction <add>, %select_n3A_40, %reduce_sum3A [0] : vector<2048x128xf32> to vector<128xf32>
    %broadcast_in_dim3A_42 = vector.shape_cast %reduce_sum3A_41 : vector<128xf32> to vector<1x128xf32>
    %eq3A_43 = arith.constant 0 : i32
    %eq3A_44 = arith.cmpi eq, %arg0, %eq3A_43 : i32
    %convert_element_type3A = arith.extui %eq3A_44 : i1 to i32
    %cond3A = arith.constant 0 : i32
    %cond3A_45 = arith.cmpi ne, %convert_element_type3A, %cond3A : i32
    scf.if %cond3A_45 {
      %broadcast_in_dim3A_55 = arith.constant 0.000000e+00 : f32
      %broadcast_in_dim3A_56 = vector.broadcast %broadcast_in_dim3A_55 : f32 to vector<8x128xf32>
      %swap3A_57 = arith.constant 0 : index
      %swap3A_58 = arith.constant 0 : index
      %swap3A_59 = vector.load %arg7[%swap3A_57, %swap3A_58] : memref<8x128xf32, #tpu.memory_space<vmem>>, vector<8x128xf32>
      tpu.vector_store %arg7[%swap3A_57, %swap3A_58], %broadcast_in_dim3A_56 {strides = array<i32>} : memref<8x128xf32, #tpu.memory_space<vmem>>, vector<8x128xf32>,
    } else {
    }
    %get3A_46 = arith.constant 0 : index
    %get3A_47 = arith.constant 0 : index
    %get3A_48 = vector.load %arg7[%get3A_46, %get3A_47] : memref<8x128xf32, #tpu.memory_space<vmem>>, vector<8x128xf32>
    %broadcast_in_dim3A_49 = vector.shape_cast %broadcast_in_dim3A_42 : vector<1x128xf32> to vector<1x128xf32>
    %broadcast_in_dim3A_50 = vector.broadcast %broadcast_in_dim3A_49 : vector<1x128xf32> to vector<8x128xf32>
    %add3A_51 = arith.addf %get3A_48, %broadcast_in_dim3A_50 : vector<8x128xf32>
    %swap3A_52 = arith.constant 0 : index
    %swap3A_53 = arith.constant 0 : index
    %swap3A_54 = vector.load %arg7[%swap3A_52, %swap3A_53] : memref<8x128xf32, #tpu.memory_space<vmem>>, vector<8x128xf32>
    tpu.vector_store %arg7[%swap3A_52, %swap3A_53], %add3A_51 {strides = array<i32>} : memref<8x128xf32, #tpu.memory_space<vmem>>, vector<8x128xf32>,
    return
  }
  func.func @transform_0(%arg0: i32) -> (i32, i32) {
    %c0_i32 = arith.constant 0 : i32
    %c0_i32_0 = arith.constant 0 : i32
    return %arg0, %c0_i32 : i32, i32
  }
  func.func @transform_1(%arg0: i32) -> (i32, i32) {
    %c0_i32 = arith.constant 0 : i32
    %c0_i32_0 = arith.constant 0 : i32
    return %arg0, %c0_i32 : i32, i32
  }
  func.func @transform_2(%arg0: i32) -> (i32, i32) {
    %c0_i32 = arith.constant 0 : i32
    %c0_i32_0 = arith.constant 0 : i32
    return %arg0, %c0_i32 : i32, i32
  }
  func.func @transform_3(%arg0: i32) -> (i32, i32) {
    %c0_i32 = arith.constant 0 : i32
    %c0_i32_0 = arith.constant 0 : i32
    return %arg0, %c0_i32 : i32, i32
  }
  func.func @transform_4(%arg0: i32) -> (i32, i32) {
    %c0_i32 = arith.constant 0 : i32
    %c0_i32_0 = arith.constant 0 : i32
    return %arg0, %c0_i32 : i32, i32
  }
  func.func @transform_5(%arg0: i32) -> (i32, i32) {
    %c0_i32 = arith.constant 0 : i32
    %c0_i32_0 = arith.constant 0 : i32
    return %arg0, %c0_i32 : i32, i32
  }
  func.func @transform_6(%arg0: i32) -> (i32, i32) {
    %c0_i32 = arith.constant 0 : i32
    %c0_i32_0 = arith.constant 0 : i32
    %c0_i32_1 = arith.constant 0 : i32
    return %c0_i32, %c0_i32_0 : i32, i32
  }
}

module attributes {stable_mosaic.version = 14 : i64} {
  func.func @_tc_mid_body(%arg0: i32, %arg1: memref<2048x128xf32, #tpu.memory_space<vmem>>, %arg2: memref<2048x128xf32, #tpu.memory_space<vmem>>, %arg3: memref<2048x128xf32, #tpu.memory_space<vmem>>, %arg4: memref<2048x8xf32, #tpu.memory_space<vmem>>, %arg5: memref<8x128xf32, #tpu.memory_space<vmem>>, %arg6: memref<128x128xf32, #tpu.memory_space<vmem>>, %arg7: memref<8x128xf32, #tpu.memory_space<vmem>>, %arg8: memref<2048x128xf32, #tpu.memory_space<vmem>>, %arg9: memref<2048x128xf32, #tpu.memory_space<vmem>>, %arg10: memref<8x128xf32, #tpu.memory_space<vmem>>) attributes {dimension_semantics = [#tpu.dimension_semantics<arbitrary>], iteration_bounds = array<i64: 5>, scalar_prefetch = 0 : i64, scratch_operands = 0 : i64, tpu.core_type = #tpu.core_type<tc>, window_params = [{transform_indices = @transform_0, window_bounds = array<i64: 2048, 128>}, {transform_indices = @transform_1, window_bounds = array<i64: 2048, 128>}, {transform_indices = @transform_2, window_bounds = array<i64: 2048, 128>}, {transform_indices = @transform_3, window_bounds = array<i64: 2048, 8>}, {pipeline_mode = #tpu.pipeline_mode<synchronous>, transform_indices = @transform_4, window_bounds = array<i64: 8, 128>}, {pipeline_mode = #tpu.pipeline_mode<synchronous>, transform_indices = @transform_5, window_bounds = array<i64: 128, 128>}, {pipeline_mode = #tpu.pipeline_mode<synchronous>, transform_indices = @transform_6, window_bounds = array<i64: 8, 128>}, {transform_indices = @transform_7, window_bounds = array<i64: 2048, 128>}, {transform_indices = @transform_8, window_bounds = array<i64: 2048, 128>}, {pipeline_mode = #tpu.pipeline_mode<synchronous>, transform_indices = @transform_9, window_bounds = array<i64: 8, 128>}]} {
    %mul3A = arith.constant 2048 : i32
    %mul3A_0 = arith.muli %arg0, %mul3A : i32
    %iota3A = tpu.iota {dimensions = array<i32: 0>} : vector<2048x1xi32>
    %add3A = vector.broadcast %mul3A_0 : i32 to vector<2048x1xi32>
    %add3A_1 = arith.addi %add3A, %iota3A : vector<2048x1xi32>
    %get3A = arith.constant 0 : index
    %get3A_2 = arith.constant 0 : index
    %get3A_3 = vector.load %arg1[%get3A, %get3A_2] : memref<2048x128xf32, #tpu.memory_space<vmem>>, vector<2048x128xf32>
    %get3A_4 = arith.constant 0 : index
    %get3A_5 = arith.constant 0 : index
    %get3A_6 = vector.load %arg2[%get3A_4, %get3A_5] : memref<2048x128xf32, #tpu.memory_space<vmem>>, vector<2048x128xf32>
    %add3A_7 = arith.addf %get3A_3, %get3A_6 : vector<2048x128xf32>
    %eq3A = arith.constant 10000 : i32
    %eq3A_8 = vector.broadcast %eq3A : i32 to vector<2048x1xi32>
    %eq3A_9 = arith.cmpi eq, %add3A_1, %eq3A_8 : vector<2048x1xi32>
    %jit3A = arith.constant 1.000000e+00 : f32
    %jit3A_10 = arith.constant 0.000000e+00 : f32
    %broadcast_in_dim3A = vector.broadcast %jit3A : f32 to vector<2048x1xf32>
    %broadcast_in_dim3A_11 = vector.broadcast %jit3A_10 : f32 to vector<2048x1xf32>
    %select_n3A = arith.select %eq3A_9, %broadcast_in_dim3A, %broadcast_in_dim3A_11 : vector<2048x1xi1>, vector<2048x1xf32>
    %get3A_12 = arith.constant 0 : index
    %get3A_13 = arith.constant 0 : index
    %get3A_14 = vector.load %arg5[%get3A_12, %get3A_13] : memref<8x128xf32, #tpu.memory_space<vmem>>, vector<1x128xf32>
    %mul3A_15 = vector.broadcast %select_n3A : vector<2048x1xf32> to vector<2048x128xf32>
    %mul3A_16 = vector.broadcast %get3A_14 : vector<1x128xf32> to vector<2048x128xf32>
    %mul3A_17 = arith.mulf %mul3A_15, %mul3A_16 : vector<2048x128xf32>
    %add3A_18 = arith.addf %add3A_7, %mul3A_17 : vector<2048x128xf32>
    %get3A_19 = arith.constant 0 : index
    %get3A_20 = arith.constant 0 : index
    %get3A_21 = vector.load %arg4[%get3A_19, %get3A_20] : memref<2048x8xf32, #tpu.memory_space<vmem>>, vector<2048x1xf32>
    %mul3A_22 = vector.broadcast %get3A_21 : vector<2048x1xf32> to vector<2048x128xf32>
    %mul3A_23 = arith.mulf %mul3A_22, %add3A_18 : vector<2048x128xf32>
    %get3A_24 = arith.constant 0 : index
    %get3A_25 = arith.constant 0 : index
    %get3A_26 = vector.load %arg3[%get3A_24, %get3A_25] : memref<2048x128xf32, #tpu.memory_space<vmem>>, vector<2048x128xf32>
    %add3A_27 = arith.addf %mul3A_23, %get3A_26 : vector<2048x128xf32>
    %get3A_28 = arith.constant 0 : index
    %get3A_29 = arith.constant 0 : index
    %get3A_30 = vector.load %arg6[%get3A_28, %get3A_29] : memref<128x128xf32, #tpu.memory_space<vmem>>, vector<128x128xf32>
    %dot_general3A = arith.constant dense<0.000000e+00> : vector<2048x128xf32>
    %dot_general3A_31 = tpu.matmul %add3A_27, %get3A_30, %dot_general3A {dimension_numbers = #tpu.dot_dimension_numbers<[1], [0], [0], [1], [0, 0, 1, 1], [], []>, transpose_lhs_hint = false} : vector<2048x128xf32>, vector<128x128xf32>, vector<2048x128xf32> -> vector<2048x128xf32>
    %get3A_32 = arith.constant 0 : index
    %get3A_33 = arith.constant 0 : index
    %get3A_34 = vector.load %arg7[%get3A_32, %get3A_33] : memref<8x128xf32, #tpu.memory_space<vmem>>, vector<1x128xf32>
    %add3A_35 = vector.broadcast %get3A_34 : vector<1x128xf32> to vector<2048x128xf32>
    %add3A_36 = arith.addf %dot_general3A_31, %add3A_35 : vector<2048x128xf32>
    %max3A = arith.constant 0.000000e+00 : f32
    %max3A_37 = vector.broadcast %max3A : f32 to vector<2048x128xf32>
    %max3A_38 = arith.maximumf %add3A_36, %max3A_37 : vector<2048x128xf32>
    %mul3A_39 = vector.broadcast %get3A_21 : vector<2048x1xf32> to vector<2048x128xf32>
    %mul3A_40 = arith.mulf %max3A_38, %mul3A_39 : vector<2048x128xf32>
    %swap3A = arith.constant 0 : index
    %swap3A_41 = arith.constant 0 : index
    %swap3A_42 = vector.load %arg8[%swap3A, %swap3A_41] : memref<2048x128xf32, #tpu.memory_space<vmem>>, vector<2048x128xf32>
    tpu.vector_store %arg8[%swap3A, %swap3A_41], %mul3A_40 {strides = array<i32>} : memref<2048x128xf32, #tpu.memory_space<vmem>>, vector<2048x128xf32>,
    %mul3A_43 = arith.mulf %get3A_21, %get3A_21 : vector<2048x1xf32>
    %mul3A_44 = vector.broadcast %mul3A_43 : vector<2048x1xf32> to vector<2048x128xf32>
    %mul3A_45 = arith.mulf %max3A_38, %mul3A_44 : vector<2048x128xf32>
    %swap3A_46 = arith.constant 0 : index
    %swap3A_47 = arith.constant 0 : index
    %swap3A_48 = vector.load %arg9[%swap3A_46, %swap3A_47] : memref<2048x128xf32, #tpu.memory_space<vmem>>, vector<2048x128xf32>
    tpu.vector_store %arg9[%swap3A_46, %swap3A_47], %mul3A_45 {strides = array<i32>} : memref<2048x128xf32, #tpu.memory_space<vmem>>, vector<2048x128xf32>,
    %lt3A = arith.constant 10000 : i32
    %lt3A_49 = vector.broadcast %lt3A : i32 to vector<2048x1xi32>
    %lt3A_50 = arith.cmpi slt, %add3A_1, %lt3A_49 : vector<2048x1xi32>
    %jit3A_51 = arith.constant 0.000000e+00 : f32
    %broadcast_in_dim3A_52 = vector.shape_cast %lt3A_50 : vector<2048x1xi1> to vector<2048x1xi1>
    %broadcast_in_dim3A_53 = vector.broadcast %broadcast_in_dim3A_52 : vector<2048x1xi1> to vector<2048x128xi1>
    %broadcast_in_dim3A_54 = vector.broadcast %jit3A_51 : f32 to vector<2048x128xf32>
    %select_n3A_55 = arith.select %broadcast_in_dim3A_53, %mul3A_40, %broadcast_in_dim3A_54 : vector<2048x128xi1>, vector<2048x128xf32>
    %reduce_sum3A = arith.constant dense<0.000000e+00> : vector<128xf32>
    %reduce_sum3A_56 = vector.multi_reduction <add>, %select_n3A_55, %reduce_sum3A [0] : vector<2048x128xf32> to vector<128xf32>
    %broadcast_in_dim3A_57 = vector.shape_cast %reduce_sum3A_56 : vector<128xf32> to vector<1x128xf32>
    %eq3A_58 = arith.constant 0 : i32
    %eq3A_59 = arith.cmpi eq, %arg0, %eq3A_58 : i32
    %convert_element_type3A = arith.extui %eq3A_59 : i1 to i32
    %cond3A = arith.constant 0 : i32
    %cond3A_60 = arith.cmpi ne, %convert_element_type3A, %cond3A : i32
    scf.if %cond3A_60 {
      %broadcast_in_dim3A_70 = arith.constant 0.000000e+00 : f32
      %broadcast_in_dim3A_71 = vector.broadcast %broadcast_in_dim3A_70 : f32 to vector<8x128xf32>
      %swap3A_72 = arith.constant 0 : index
      %swap3A_73 = arith.constant 0 : index
      %swap3A_74 = vector.load %arg10[%swap3A_72, %swap3A_73] : memref<8x128xf32, #tpu.memory_space<vmem>>, vector<8x128xf32>
      tpu.vector_store %arg10[%swap3A_72, %swap3A_73], %broadcast_in_dim3A_71 {strides = array<i32>} : memref<8x128xf32, #tpu.memory_space<vmem>>, vector<8x128xf32>,
    } else {
    }
    %get3A_61 = arith.constant 0 : index
    %get3A_62 = arith.constant 0 : index
    %get3A_63 = vector.load %arg10[%get3A_61, %get3A_62] : memref<8x128xf32, #tpu.memory_space<vmem>>, vector<8x128xf32>
    %broadcast_in_dim3A_64 = vector.shape_cast %broadcast_in_dim3A_57 : vector<1x128xf32> to vector<1x128xf32>
    %broadcast_in_dim3A_65 = vector.broadcast %broadcast_in_dim3A_64 : vector<1x128xf32> to vector<8x128xf32>
    %add3A_66 = arith.addf %get3A_63, %broadcast_in_dim3A_65 : vector<8x128xf32>
    %swap3A_67 = arith.constant 0 : index
    %swap3A_68 = arith.constant 0 : index
    %swap3A_69 = vector.load %arg10[%swap3A_67, %swap3A_68] : memref<8x128xf32, #tpu.memory_space<vmem>>, vector<8x128xf32>
    tpu.vector_store %arg10[%swap3A_67, %swap3A_68], %add3A_66 {strides = array<i32>} : memref<8x128xf32, #tpu.memory_space<vmem>>, vector<8x128xf32>,
    return
  }
  func.func @transform_0(%arg0: i32) -> (i32, i32) {
    %c0_i32 = arith.constant 0 : i32
    %c0_i32_0 = arith.constant 0 : i32
    return %arg0, %c0_i32 : i32, i32
  }
  func.func @transform_1(%arg0: i32) -> (i32, i32) {
    %c0_i32 = arith.constant 0 : i32
    %c0_i32_0 = arith.constant 0 : i32
    return %arg0, %c0_i32 : i32, i32
  }
  func.func @transform_2(%arg0: i32) -> (i32, i32) {
    %c0_i32 = arith.constant 0 : i32
    %c0_i32_0 = arith.constant 0 : i32
    return %arg0, %c0_i32 : i32, i32
  }
  func.func @transform_3(%arg0: i32) -> (i32, i32) {
    %c0_i32 = arith.constant 0 : i32
    %c0_i32_0 = arith.constant 0 : i32
    return %arg0, %c0_i32 : i32, i32
  }
  func.func @transform_4(%arg0: i32) -> (i32, i32) {
    %c0_i32 = arith.constant 0 : i32
    %c0_i32_0 = arith.constant 0 : i32
    %c0_i32_1 = arith.constant 0 : i32
    return %c0_i32, %c0_i32_0 : i32, i32
  }
  func.func @transform_5(%arg0: i32) -> (i32, i32) {
    %c0_i32 = arith.constant 0 : i32
    %c0_i32_0 = arith.constant 0 : i32
    %c0_i32_1 = arith.constant 0 : i32
    return %c0_i32, %c0_i32_0 : i32, i32
  }
  func.func @transform_6(%arg0: i32) -> (i32, i32) {
    %c0_i32 = arith.constant 0 : i32
    %c0_i32_0 = arith.constant 0 : i32
    %c0_i32_1 = arith.constant 0 : i32
    return %c0_i32, %c0_i32_0 : i32, i32
  }
  func.func @transform_7(%arg0: i32) -> (i32, i32) {
    %c0_i32 = arith.constant 0 : i32
    %c0_i32_0 = arith.constant 0 : i32
    return %arg0, %c0_i32 : i32, i32
  }
  func.func @transform_8(%arg0: i32) -> (i32, i32) {
    %c0_i32 = arith.constant 0 : i32
    %c0_i32_0 = arith.constant 0 : i32
    return %arg0, %c0_i32 : i32, i32
  }
  func.func @transform_9(%arg0: i32) -> (i32, i32) {
    %c0_i32 = arith.constant 0 : i32
    %c0_i32_0 = arith.constant 0 : i32
    %c0_i32_1 = arith.constant 0 : i32
    return %c0_i32, %c0_i32_0 : i32, i32
  }
}

module attributes {stable_mosaic.version = 14 : i64} {
  func.func @_tc_final_body(%arg0: i32, %arg1: memref<2048x128xf32, #tpu.memory_space<vmem>>, %arg2: memref<2048x128xf32, #tpu.memory_space<vmem>>, %arg3: memref<2048x128xf32, #tpu.memory_space<vmem>>, %arg4: memref<2048x8xf32, #tpu.memory_space<vmem>>, %arg5: memref<8x128xf32, #tpu.memory_space<vmem>>, %arg6: memref<128x128xf32, #tpu.memory_space<vmem>>, %arg7: memref<8x128xf32, #tpu.memory_space<vmem>>, %arg8: memref<128x128xf32, #tpu.memory_space<vmem>>, %arg9: memref<8x128xf32, #tpu.memory_space<vmem>>, %arg10: memref<2048x128xf32, #tpu.memory_space<vmem>>, %arg11: memref<2048x128xf32, #tpu.memory_space<vmem>>) attributes {dimension_semantics = [#tpu.dimension_semantics<arbitrary>], iteration_bounds = array<i64: 5>, scalar_prefetch = 0 : i64, scratch_operands = 0 : i64, tpu.core_type = #tpu.core_type<tc>, window_params = [{transform_indices = @transform_0, window_bounds = array<i64: 2048, 128>}, {transform_indices = @transform_1, window_bounds = array<i64: 2048, 128>}, {transform_indices = @transform_2, window_bounds = array<i64: 2048, 128>}, {transform_indices = @transform_3, window_bounds = array<i64: 2048, 8>}, {pipeline_mode = #tpu.pipeline_mode<synchronous>, transform_indices = @transform_4, window_bounds = array<i64: 8, 128>}, {pipeline_mode = #tpu.pipeline_mode<synchronous>, transform_indices = @transform_5, window_bounds = array<i64: 128, 128>}, {pipeline_mode = #tpu.pipeline_mode<synchronous>, transform_indices = @transform_6, window_bounds = array<i64: 8, 128>}, {pipeline_mode = #tpu.pipeline_mode<synchronous>, transform_indices = @transform_7, window_bounds = array<i64: 128, 128>}, {pipeline_mode = #tpu.pipeline_mode<synchronous>, transform_indices = @transform_8, window_bounds = array<i64: 8, 128>}, {transform_indices = @transform_9, window_bounds = array<i64: 2048, 128>}, {transform_indices = @transform_10, window_bounds = array<i64: 2048, 128>}]} {
    %mul3A = arith.constant 2048 : i32
    %mul3A_0 = arith.muli %arg0, %mul3A : i32
    %iota3A = tpu.iota {dimensions = array<i32: 0>} : vector<2048x1xi32>
    %add3A = vector.broadcast %mul3A_0 : i32 to vector<2048x1xi32>
    %add3A_1 = arith.addi %add3A, %iota3A : vector<2048x1xi32>
    %get3A = arith.constant 0 : index
    %get3A_2 = arith.constant 0 : index
    %get3A_3 = vector.load %arg1[%get3A, %get3A_2] : memref<2048x128xf32, #tpu.memory_space<vmem>>, vector<2048x128xf32>
    %get3A_4 = arith.constant 0 : index
    %get3A_5 = arith.constant 0 : index
    %get3A_6 = vector.load %arg2[%get3A_4, %get3A_5] : memref<2048x128xf32, #tpu.memory_space<vmem>>, vector<2048x128xf32>
    %add3A_7 = arith.addf %get3A_3, %get3A_6 : vector<2048x128xf32>
    %eq3A = arith.constant 10000 : i32
    %eq3A_8 = vector.broadcast %eq3A : i32 to vector<2048x1xi32>
    %eq3A_9 = arith.cmpi eq, %add3A_1, %eq3A_8 : vector<2048x1xi32>
    %jit3A = arith.constant 1.000000e+00 : f32
    %jit3A_10 = arith.constant 0.000000e+00 : f32
    %broadcast_in_dim3A = vector.broadcast %jit3A : f32 to vector<2048x1xf32>
    %broadcast_in_dim3A_11 = vector.broadcast %jit3A_10 : f32 to vector<2048x1xf32>
    %select_n3A = arith.select %eq3A_9, %broadcast_in_dim3A, %broadcast_in_dim3A_11 : vector<2048x1xi1>, vector<2048x1xf32>
    %get3A_12 = arith.constant 0 : index
    %get3A_13 = arith.constant 0 : index
    %get3A_14 = vector.load %arg5[%get3A_12, %get3A_13] : memref<8x128xf32, #tpu.memory_space<vmem>>, vector<1x128xf32>
    %mul3A_15 = vector.broadcast %select_n3A : vector<2048x1xf32> to vector<2048x128xf32>
    %mul3A_16 = vector.broadcast %get3A_14 : vector<1x128xf32> to vector<2048x128xf32>
    %mul3A_17 = arith.mulf %mul3A_15, %mul3A_16 : vector<2048x128xf32>
    %add3A_18 = arith.addf %add3A_7, %mul3A_17 : vector<2048x128xf32>
    %get3A_19 = arith.constant 0 : index
    %get3A_20 = arith.constant 0 : index
    %get3A_21 = vector.load %arg4[%get3A_19, %get3A_20] : memref<2048x8xf32, #tpu.memory_space<vmem>>, vector<2048x1xf32>
    %mul3A_22 = vector.broadcast %get3A_21 : vector<2048x1xf32> to vector<2048x128xf32>
    %mul3A_23 = arith.mulf %mul3A_22, %add3A_18 : vector<2048x128xf32>
    %get3A_24 = arith.constant 0 : index
    %get3A_25 = arith.constant 0 : index
    %get3A_26 = vector.load %arg3[%get3A_24, %get3A_25] : memref<2048x128xf32, #tpu.memory_space<vmem>>, vector<2048x128xf32>
    %add3A_27 = arith.addf %mul3A_23, %get3A_26 : vector<2048x128xf32>
    %get3A_28 = arith.constant 0 : index
    %get3A_29 = arith.constant 0 : index
    %get3A_30 = vector.load %arg6[%get3A_28, %get3A_29] : memref<128x128xf32, #tpu.memory_space<vmem>>, vector<128x128xf32>
    %dot_general3A = arith.constant dense<0.000000e+00> : vector<2048x128xf32>
    %dot_general3A_31 = tpu.matmul %add3A_27, %get3A_30, %dot_general3A {dimension_numbers = #tpu.dot_dimension_numbers<[1], [0], [0], [1], [0, 0, 1, 1], [], []>, transpose_lhs_hint = false} : vector<2048x128xf32>, vector<128x128xf32>, vector<2048x128xf32> -> vector<2048x128xf32>
    %get3A_32 = arith.constant 0 : index
    %get3A_33 = arith.constant 0 : index
    %get3A_34 = vector.load %arg7[%get3A_32, %get3A_33] : memref<8x128xf32, #tpu.memory_space<vmem>>, vector<1x128xf32>
    %add3A_35 = vector.broadcast %get3A_34 : vector<1x128xf32> to vector<2048x128xf32>
    %add3A_36 = arith.addf %dot_general3A_31, %add3A_35 : vector<2048x128xf32>
    %swap3A = arith.constant 0 : index
    %swap3A_37 = arith.constant 0 : index
    %swap3A_38 = vector.load %arg10[%swap3A, %swap3A_37] : memref<2048x128xf32, #tpu.memory_space<vmem>>, vector<2048x128xf32>
    tpu.vector_store %arg10[%swap3A, %swap3A_37], %add3A_36 {strides = array<i32>} : memref<2048x128xf32, #tpu.memory_space<vmem>>, vector<2048x128xf32>,
    %get3A_39 = arith.constant 0 : index
    %get3A_40 = arith.constant 0 : index
    %get3A_41 = vector.load %arg8[%get3A_39, %get3A_40] : memref<128x128xf32, #tpu.memory_space<vmem>>, vector<128x128xf32>
    %dot_general3A_42 = arith.constant dense<0.000000e+00> : vector<2048x128xf32>
    %dot_general3A_43 = tpu.matmul %add3A_27, %get3A_41, %dot_general3A_42 {dimension_numbers = #tpu.dot_dimension_numbers<[1], [0], [0], [1], [0, 0, 1, 1], [], []>, transpose_lhs_hint = false} : vector<2048x128xf32>, vector<128x128xf32>, vector<2048x128xf32> -> vector<2048x128xf32>
    %get3A_44 = arith.constant 0 : index
    %get3A_45 = arith.constant 0 : index
    %get3A_46 = vector.load %arg9[%get3A_44, %get3A_45] : memref<8x128xf32, #tpu.memory_space<vmem>>, vector<1x128xf32>
    %add3A_47 = vector.broadcast %get3A_46 : vector<1x128xf32> to vector<2048x128xf32>
    %add3A_48 = arith.addf %dot_general3A_43, %add3A_47 : vector<2048x128xf32>
    %swap3A_49 = arith.constant 0 : index
    %swap3A_50 = arith.constant 0 : index
    %swap3A_51 = vector.load %arg11[%swap3A_49, %swap3A_50] : memref<2048x128xf32, #tpu.memory_space<vmem>>, vector<2048x128xf32>
    tpu.vector_store %arg11[%swap3A_49, %swap3A_50], %add3A_48 {strides = array<i32>} : memref<2048x128xf32, #tpu.memory_space<vmem>>, vector<2048x128xf32>,
    return
  }
  func.func @transform_0(%arg0: i32) -> (i32, i32) {
    %c0_i32 = arith.constant 0 : i32
    %c0_i32_0 = arith.constant 0 : i32
    return %arg0, %c0_i32 : i32, i32
  }
  func.func @transform_1(%arg0: i32) -> (i32, i32) {
    %c0_i32 = arith.constant 0 : i32
    %c0_i32_0 = arith.constant 0 : i32
    return %arg0, %c0_i32 : i32, i32
  }
  func.func @transform_2(%arg0: i32) -> (i32, i32) {
    %c0_i32 = arith.constant 0 : i32
    %c0_i32_0 = arith.constant 0 : i32
    return %arg0, %c0_i32 : i32, i32
  }
  func.func @transform_3(%arg0: i32) -> (i32, i32) {
    %c0_i32 = arith.constant 0 : i32
    %c0_i32_0 = arith.constant 0 : i32
    return %arg0, %c0_i32 : i32, i32
  }
  func.func @transform_4(%arg0: i32) -> (i32, i32) {
    %c0_i32 = arith.constant 0 : i32
    %c0_i32_0 = arith.constant 0 : i32
    %c0_i32_1 = arith.constant 0 : i32
    return %c0_i32, %c0_i32_0 : i32, i32
  }
  func.func @transform_5(%arg0: i32) -> (i32, i32) {
    %c0_i32 = arith.constant 0 : i32
    %c0_i32_0 = arith.constant 0 : i32
    %c0_i32_1 = arith.constant 0 : i32
    return %c0_i32, %c0_i32_0 : i32, i32
  }
  func.func @transform_6(%arg0: i32) -> (i32, i32) {
    %c0_i32 = arith.constant 0 : i32
    %c0_i32_0 = arith.constant 0 : i32
    %c0_i32_1 = arith.constant 0 : i32
    return %c0_i32, %c0_i32_0 : i32, i32
  }
  func.func @transform_7(%arg0: i32) -> (i32, i32) {
    %c0_i32 = arith.constant 0 : i32
    %c0_i32_0 = arith.constant 0 : i32
    %c0_i32_1 = arith.constant 0 : i32
    return %c0_i32, %c0_i32_0 : i32, i32
  }
  func.func @transform_8(%arg0: i32) -> (i32, i32) {
    %c0_i32 = arith.constant 0 : i32
    %c0_i32_0 = arith.constant 0 : i32
    %c0_i32_1 = arith.constant 0 : i32
    return %c0_i32, %c0_i32_0 : i32, i32
  }
  func.func @transform_9(%arg0: i32) -> (i32, i32) {
    %c0_i32 = arith.constant 0 : i32
    %c0_i32_0 = arith.constant 0 : i32
    return %arg0, %c0_i32 : i32, i32
  }
  func.func @transform_10(%arg0: i32) -> (i32, i32) {
    %c0_i32 = arith.constant 0 : i32
    %c0_i32_0 = arith.constant 0 : i32
    return %arg0, %c0_i32 : i32, i32
  }
}

</mosaic_0001>

<sc_bundles>
// kernel: kernel.11.cloned.1.call-start
scs
__scs_entry_jumppad:
0x0: {  	(pc) =	sbr.rel $0x88, $3  }
0x1: {  	(tag) =	ssettag $0x0;
	lr =	simm.s32 $0x1  }
0x2: {  	[smem:$0x3F98] =	sst lr;
	_ =	strace $0xD0000000  }
0x3: {  	_ = 	snop  }
0x4: {  	_ = 	snop  }
0x5: {  	_ = 	snop  }
0x6: {  	_ = 	snop  }
0x7: {  	_ = 	snop  }
__scs_overlays_trampoline_lowered:
0x8: {  	[smem:$0x3FA7] =	sst s0  }
0x9: {  	[smem:$0x3FA8] =	sst s1  }
0xa: {  	[smem:$0x3FA9] =	sst s2  }
0xb: {  	[smem:$0x3FAA] =	sst s3  }
0xc: {  	[smem:$0x3FAB] =	sst s4  }
0xd: {  	[smem:$0x3FAC] =	sst s5  }
0xe: {  	[smem:$0x3FAD] =	sst s6  }
0xf: {  	[smem:$0x3FAE] =	sst s7  }
0x10: {  	[smem:$0x3FAF] =	sst s8  }
0x11: {  	[smem:$0x3FB0] =	sst s9;
	s0 =	simm.s32 @!p0 $0x0  }
0x12: {  	s1 =	sld [smem:$0x3F96];
	s0 =	simm.s32 @p0 $0x1  }
0x13: {  	[smem:$0x3FB1] =	sst s0;
	s0 =	simm.s32 @!p1 $0x0  }
0x14: {  	s2 =	sld [smem:$0x3F95];
	s0 =	simm.s32 @p1 $0x1  }
0x15: {  	[smem:$0x3FB2] =	sst s0;
	s0 =	simm.s32 @!p2 $0x0  }
0x16: {  	s3 =	sld [smem:$0x3FDB];
	s0 =	simm.s32 @p2 $0x1  }
0x17: {  	s4 =	simm.s32 $0x1BF5;
	[smem:$0x3FB4] =	sst s0  }
0x18: {  	s0 =	sld [smem:$0x3F97];
	_ =	swait.ge [sflag:s4], $0x0  }
0x19: {  	s7 =	sld [smem:$0x3F98]  }
0x1a: {  	s8 =	sadd.s32 $0xFFFFE003, lr  }
0x1b: {  	s9 =	sadd.s32 $0xFFFFFEF7, lr;
	s5 =	simm.s32 $0xFFFFFFFF;
	p2 =	slt.u32 s8, $0xFFFFF086  }
0x1c: {  	p1 =	slt.u32 s9, $0xF7A;
	s5 =	simm.s32 @!p2 $0x0  }
0x1d: {  	s5 =	simm.s32 @p1 $0x1;
	p0 =	seq.s32 s7, s2  }
0x1e: {  	s7 =	smul.u32 @!p0 $0xF7A, s2;
	p2 =	seq.s32 @!p0 s5, $0x0  }
0x1f: {  	s9 =	smul.u32 $0xF7A, s1;
	s8 =	simm.s32 @!p0 $0x1BF5;
	p2 =	por !p2, p0  }
0x20: {  	[sflag:s8] =	ssyncset.s32 @!p0 $0xFFFFF086;
	s6 =	sadd.s32 @!p0 s3, s7;
	s7 =	simm.s32 @!p0 $0x108  }
0x21: {  	s3 =	sadd.s32 s3, s9;
	s6 =	sadd.s32 @!p0 $0x88, s6;
	s7 =	simm.s32 @p2 $0x1082  }
0x22: {  	[simem:s7], [sflag:s8] =	dma.local @!p0 [hbm:s6], $0xF7A  }
0x23: {  	s9 =	sor.u32 $0xD0000000, s2;
	s6 =	simm.s32 $0x108;
	_ =	swait.ge @!p0 [sflag:s8], $0x0  }
0x24: {  	s3 =	sadd.s32 $0x88, s3;
	s6 =	simm.s32 @!p1 $0x1082;
	[sflag:s4] =	ssyncset.s32 $0xFFFFF086  }
0x25: {  	[simem:s6], [sflag:s4] =	dma.local [hbm:s3], $0xF7A  }
0x26: {  	[smem:$0x3F98] =	sst s1;
	(tag) =	ssettag s2;
	_ =	strace s9  }
0x27: {  	s1 =	sld [smem:$0x3FA8]  }
0x28: {  	s2 =	sld [smem:$0x3FA9]  }
0x29: {  	s4 =	sld [smem:$0x3FAB]  }
0x2a: {  	p0 =	seq.s32 s5, $0x0;
	s5 =	sld [smem:$0x3FAC]  }
0x2b: {  	s6 =	sld [smem:$0x3FAD]  }
0x2c: {  	s7 =	sld [smem:$0x3FAE]  }
0x2d: {  	s3 =	simm.s32 $0x108;
	s8 =	sld [smem:$0x3FAF]  }
0x2e: {  	s3 =	simm.s32 @!p0 $0x1082;
	s9 =	sld [smem:$0x3FB0]  }
0x2f: {  	lr =	sadd.s32 s0, s3;
	s0 =	sld [smem:$0x3FA7]  }
0x30: {  	s3 =	sld [smem:$0x3FAA]  }
0x31: {  	[smem:$0x3FB3] =	sst s10  }
0x32: {  	s10 =	sld [smem:$0x3FB1];
	_ =	sdelay $0x3  }
0x33: {  	p0 =	seq.s32 s10, $0x1;
	s10 =	sld [smem:$0x3FB3];
	_ =	sdelay $0x3  }
0x34: {  	[smem:$0x3FB3] =	sst s10  }
0x35: {  	s10 =	sld [smem:$0x3FB2];
	_ =	sdelay $0x3  }
0x36: {  	p1 =	seq.s32 s10, $0x1;
	s10 =	sld [smem:$0x3FB3];
	_ =	sdelay $0x3  }
0x37: {  	[smem:$0x3FB3] =	sst s10  }
0x38: {  	s10 =	sld [smem:$0x3FB4]  }
0x39: {  	_ = 	snop;
	(pc) =	sbr.ind lr, $3  }
0x3a: {  	_ = 	snop  }
0x3b: {  	_ = 	snop  }
0x3c: {  	p2 =	seq.s32 s10, $0x1;
	s10 =	sld [smem:$0x3FB3]  }
0x3d: {  	_ =	shalt  }
0x3e: {  	_ =	shalt  }
0x3f: {  	_ =	shalt  }
0x40: {  	_ =	shalt  }
0x41: {  	_ =	shalt  }
0x42: {  	_ =	shalt  }
0x43: {  	_ =	shalt  }
0x44: {  	_ =	shalt  }
0x45: {  	_ =	shalt  }
0x46: {  	_ =	shalt  }
0x47: {  	_ =	shalt  }
0x48: {  	_ =	shalt  }
0x49: {  	_ =	shalt  }
0x4a: {  	_ =	shalt  }
0x4b: {  	_ =	shalt  }
0x4c: {  	_ =	shalt  }
0x4d: {  	_ =	shalt  }
0x4e: {  	_ =	shalt  }
0x4f: {  	_ =	shalt  }
0x50: {  	_ =	shalt  }
0x51: {  	_ =	shalt  }
0x52: {  	_ =	shalt  }
0x53: {  	_ =	shalt  }
0x54: {  	_ =	shalt  }
0x55: {  	_ =	shalt  }
0x56: {  	_ =	shalt  }
0x57: {  	_ =	shalt  }
0x58: {  	_ =	shalt  }
0x59: {  	_ =	shalt  }
0x5a: {  	_ =	shalt  }
0x5b: {  	_ =	shalt  }
0x5c: {  	_ =	shalt  }
0x5d: {  	_ =	shalt  }
0x5e: {  	_ =	shalt  }
0x5f: {  	_ =	shalt  }
0x60: {  	_ =	shalt  }
0x61: {  	_ =	shalt  }
0x62: {  	_ =	shalt  }
0x63: {  	_ =	shalt  }
0x64: {  	_ =	shalt  }
0x65: {  	_ =	shalt  }
0x66: {  	_ =	shalt  }
0x67: {  	_ =	shalt  }
0x68: {  	_ =	shalt  }
0x69: {  	_ =	shalt  }
0x6a: {  	_ =	shalt  }
0x6b: {  	_ =	shalt  }
0x6c: {  	_ =	shalt  }
0x6d: {  	_ =	shalt  }
0x6e: {  	_ =	shalt  }
0x6f: {  	_ =	shalt  }
0x70: {  	_ =	shalt  }
0x71: {  	_ =	shalt  }
0x72: {  	_ =	shalt  }
0x73: {  	_ =	shalt  }
0x74: {  	_ =	shalt  }
0x75: {  	_ =	shalt  }
0x76: {  	_ =	shalt  }
0x77: {  	_ =	shalt  }
0x78: {  	_ =	shalt  }
0x79: {  	_ =	shalt  }
0x7a: {  	_ =	shalt  }
0x7b: {  	_ =	shalt  }
0x7c: {  	_ =	shalt  }
0x7d: {  	_ =	shalt  }
0x7e: {  	_ =	shalt  }
0x7f: {  	_ =	shalt  }
0x80: {  	_ =	shalt  }
0x81: {  	_ =	shalt  }
0x82: {  	_ =	shalt  }
0x83: {  	_ =	shalt  }
0x84: {  	_ =	shalt  }
0x85: {  	_ =	shalt  }
0x86: {  	_ =	shalt  }
0x87: {  	_ =	shalt  }
.Lfunc_end0:
.L_simem_size_0:
called_computation.1_lowered:
.L_overlay_start_0:
0x88: {  	s2 =	sld [smem:$0x3FD9]  }
0x89: {  	s3 =	sld [smem:$0x3FFE];
	_ =	sdelay $0x1  }
0x8a: {  	s1 =	srdreg.scid  }
0x8b: {  	s0 =	sand.u32 $0x1, s1  }
0x8c: {  	s14 =	sshll.u32 s0, $0xA;
	s2 =	sadd.s32 s3, s2  }
0x8d: {  	s2 =	sadd.s32 s2, s14  }
0x8e: {  	[smem:$0x3FBF] =	sst s2  }
0x8f: {  	_ = 	snop  }
0x90: {  	s2 =	sld [smem:$0x3FD0];
	_ =	sdelay $0x2  }
0x91: {  	s15 =	simm.s32 $0xA;
	s4 =	simm.s32 $0x10  }
0x92: {  	[smem:s4], [sflag:s15] =	dma.local [hbm:s2], $0x1  }
0x93: {  	_ =	swait.eq [sflag:s15], $0x1  }
0x94: {  	[sflag:s15] =	ssyncset.done $0x0  }
0x95: {  	s16 =	sld [smem:$0x10];
	[sflag:s15] =	ssyncadd.s32 $0xFFFFFFFF  }
0x96: {  	s17 =	sld [smem:$0x11];
	(tm) =	ssettm $0x1  }
0x97: {  	s18 =	sld [smem:$0x3FFB];
	_ =	sdelay $0x3  }
0x98: {  	_ =	strace s18  }
0x99: {  	s4 =	sld [smem:$0x3FFC];
	_ =	sdelay $0x3  }
0x9a: {  	_ =	strace s4  }
0x9b: {  	s4 =	sld [smem:$0x3FFD];
	_ =	sdelay $0x3  }
0x9c: {  	_ =	strace s4  }
0x9d: {  	_ =	strace $0x8FFFFFFF  }
0x9e: {  	s19 =	sld [smem:$0x3FDB];
	_ =	sdelay $0x1  }
0x9f: {  	s5 =	simm.s32 $_scs_section_size  }
0xa0: {  	s6 =	simm.s32 $_size__tile_overlayer_lowered;
	s7 =	simm.s32 $_tile_overlayer_lowered  }
0xa1: {  	s22 =	simm.s32 $0x1BFF;
	s21 =	sshll.u32 s7, $0x1;
	s4 =	sadd.s32 s5, s19  }
0xa2: {  	s8 =	simm.s32 $0x0;
	s20 =	sshll.u32 s6, $0x1;
	s6 =	sadd.s32 s21, s4  }
0xa3: {  	[timem:s8], [sflag:s22] =	dma.local [hbm:s6], s20  }
0xa4: {  	_ =	swait.ge [sflag:s22], s20  }
0xa5: {  	s5 =	ssub.s32 $0x0, s20;
	[sflag:s22] =	ssyncset.done $0x0  }
0xa6: {  	[sflag:s22] =	ssyncadd.s32 s5;
	_ =	sdelay $0x1  }
0xa7: {  	s23 =	simm.s32 $0x1B8B  }
0xa8: {  	_ =	swait.ge [sflag:s23], $0x1  }
0xa9: {  	[sflag:s23] =	ssyncset.done $0x0  }
0xaa: {  	s25 =	simm.s32 $0x1B8E;
	s24 =	sld [smem:$0x3FFE];
	[sflag:s23] =	ssyncadd.s32 $0xFFFFFFFF  }
0xab: {  	s26 =	simm.s32 $execute0_lowered;
	[smem:$0x3FD2] =	sst s25  }
0xac: {  	s6 =	sshll.u32 s26, $0x1;
	_ =	strace $0x80000049;
	[dreg:$0x1] =	wrdreg $0xFFFFFFFF  }
0xad: {  	s28 =	simm.s32 $_size_execute0_lowered;
	s4 =	sadd.s32 s4, s6;
	[dreg:$0x0] =	wrdreg $0x0  }
0xae: {  	s6 =	sshll.u32 s28, $0x1;
	[dreg:$0x2] =	wrdreg s4  }
0xaf: {  	[dreg:$0x3] =	wrdreg s6  }
0xb0: {  	[dreg:$0x4] =	wrdreg $0xC0  }
0xb1: {  	_ =	task [dreg:s8], $0x5FFFF  }
0xb2: {  	[dreg:$0x1] =	wrdreg $0xFFFFFFFF  }
0xb3: {  	[dreg:$0x0] =	wrdreg $0x60  }
0xb4: {  	[dreg:$0x2] =	wrdreg s24  }
0xb5: {  	[dreg:$0x3] =	wrdreg s16  }
0xb6: {  	[dreg:$0x4] =	wrdreg s17  }
0xb7: {  	[dreg:$0x5] =	wrdreg $0xA8000  }
0xb8: {  	[dreg:$0x6] =	wrdreg $0x9  }
0xb9: {  	_ =	task.clear_ibuf [dreg:s8], $0x7FFFF;
	_ =	strace $0x90000049  }
0xba: {  	s29 =	simm.s32 $0x9;
	_ =	strace $0x8000004B  }
0xbb: {  	_ =	swait.ge [sflag:s29], $0x1  }
0xbc: {  	[sflag:s29] =	ssyncadd.s32 $0xFFFFFFFF  }
0xbd: {  	_ =	strace $0x9000004B  }
0xbe: {  	_ =	sfence  }
0xbf: {  	s30 =	sld [smem:$0x0];
	_ =	sdelay $0x2  }
0xc0: {  	s31 =	sshll.u32 s1, $0xD;
	s1 =	sshrl.u32 s1, $0x2  }
0xc1: {  	s3 =	sand.u32 $0x4000, s31;
	s1 =	sadd.s32 s1, s30  }
0xc2: {  	s0 =	sor.u32 s3, s0;
	s1 =	sshll.u32 s1, $0x11  }
0xc3: {  	s0 =	sor.u32 s1, s0  }
0xc4: {  	s0 =	sadd.s32 $0x8F2B, s0  }
0xc5: {  	[sflag:s0] =	ssyncadd.remote.s32 $0x1  }
0xc6: {  	_ =	sfence.sel $0xFFFF  }
0xc7: {  	[dreg:$0x0] =	wrdreg $0xFFFFFFFF;
	(pc) =	sbr.abs _section_cstart, $3  }
0xc8: {  	[dreg:$0x1] =	wrdreg $0xFFFFFFFF  }
0xc9: {  	_ =	task.clear_ibuf [dreg:s8], $0x2FFFF;
	_ =	strace $0x9FFFFFFF  }
0xca: {  	(tm) =	ssettm $0x7FFFFFFF  }
0xcb: {  	_ =	shalt  }
tec
execute0_lowered:
.L_overlay_start_1:
0x0: {  	(tag) =	ssettag $0x1  }
0x1: {  	s5 =	rddreg [dreg:$0x0]  }
0x2: {  	s9 =	rddreg [dreg:$0x1]  }
0x3: {  	s10 =	rddreg [dreg:$0x2]  }
0x4: {  	s2 =	rddreg [dreg:$0x3]  }
0x5: {  	s0 =	rddreg [dreg:$0x4];
	s3 =	simm.s32 $0x0  }
0x6: {  	s1 =	stileid.u32;
	s4 =	srdreg.scid;
	s17 =	simm.s32 $0x2800  }
0x7: {  	s18 =	simm.s32 $0x6800;
	s19 =	simm.s32 $0x1;
	s20 =	simm.s32 $0x2  }
0x8: {  	s21 =	simm.s32 $0x1380;
	s22 =	simm.s32 $0x2700;
	s23 =	simm.s32 $0x2780  }
0x9: {  	s24 =	simm.s32 $0x0;
	[smem:$0x7FF] =	sst s3;
	s6 =	smul.u32 $0x2800, s1  }
0xa: {  	s7 =	sand.u32 $0x1, s4;
	s4 =	sadd.s32 $0x2B000, s5;
	s12 =	smul.u32 $0x50000, s1  }
0xb: {  	s14 =	sshll.u32 s1, $0x1;
	s29 =	sshll.u32 s1, $0x6;
	_ =	strace $0x8000004A  }
0xc: {  	s11 =	smul.u32 $0x28000, s7;
	s13 =	sshll.u32 s7, $0x5;
	s7 =	ssub.s32 $0x2, s7  }
0xd: {  	s8 =	sadd.s32 s6, s5;
	s26 =	sor.u32 s14, s13;
	s28 =	sshrl.u32 s7, $0x1  }
0xe: {  	s12 =	sshrl.u32 s12, $0x2;
	s6 =	sadd.s32 s6, s11;
	s14 =	smul.u32 $0x1400, s26  }
0xf: {  	s13 =	ssub.s32 s7, s28;
	s16 =	sadd.s32 s12, s2;
	s11 =	smul.u32 $0x280, s26  }
0x10: {  	s15 =	sadd.s32 s6, s5;
	s5 =	sadd.s32 $0x3000, s8;
	s6 =	sor.u32 $0x1C03, s29  }
0x11: {  	s12 =	smax.u32 s13, $0x1;
	s13 =	sshrl.u32 s16, $0x3;
	s16 =	simm.s32 $0x80  }
0x12: {  	s30 =	sshrl.u32 s14, $0x3;
	s7 =	sadd.s32 s9, s11;
	s8 =	sadd.s32 s10, s11  }
0x13: {  	s11 =	sadd.s32 $0xA3000, s15;
	s14 =	simm.s32 $0x3;
	s31 =	sadd.s32 $0x280, s30  }
0x14: {  	s15 =	simm.s32 $0x1400;
	s9 =	sadd.s32 s9, s31;
	s10 =	sadd.s32 s10, s31  }
.LBB2_1:
0x15: {  	[spmem:s13], [sflag:s6] =	dma.local [hbm:s5], $0x2800  }
0x16: {  	_ =	swait.ge [sflag:s14], $0x2800  }
0x17: {  	[sflag:s14] =	ssyncset.done $0x0  }
0x18: {  	[sflag:s14] =	ssyncadd.s32 $0xFFFFD800  }
0x19: {  	[bflag:$0x0] =	sbarrier.arrive $0xFFFF  }
0x1a: {  	[tilespmem:s3], [sflag:$0x3] =	stream.linear.gather [hbm4b:s7+s3], $0x1400, $0x38;
	[tilespmem:$0x1E800] =	vst v63  }
0x1b: {  	_ =	swait.ge [sflag:s14], $0x1400  }
0x1c: {  	[sflag:s14] =	ssyncset.done $0x0  }
0x1d: {  	[sflag:s14] =	ssyncadd.s32 $0xFFFFEC00  }
0x1e: {  	[tilespmem:s15], [sflag:$0x3] =	stream.linear.gather [hbm4b:s8+s3], $0x1400, $0x38;
	[tilespmem:$0x1E800] =	vst v63  }
0x1f: {  	_ =	swait.ge [sflag:s14], $0x1400  }
0x20: {  	[sflag:s14] =	ssyncset.done $0x0  }
0x21: {  	[sflag:s14] =	ssyncadd.s32 $0xFFFFEC00  }
0x22: {  	[tilespmem:s17], [sflag:$0x1] =	stream.indirect.gather [hbm4b:s4+s16], $0x80, s3, s16, $0xb8;
	[tilespmem:$0x1E800] =	vst v63  }
0x23: {  	s25 =	simm.s32 $0x80  }
0x24: {  	[tilespmem:s18], [sflag:$0x2] =	stream.indirect.gather [hbm4b:s4+s16], $0x80, s25, s16, $0xb8;
	[tilespmem:$0x1E800] =	vst v63  }
0x25: {  	_ =	swait.ge [sflag:s19], $0x4000  }
0x26: {  	[sflag:s19] =	ssyncset.done $0x0  }
0x27: {  	s29 =	simm.s32 $0x1400;
	[sflag:s19] =	ssyncadd.s32 $0xFFFFC000  }
0x28: {  	[spmem:s2] =	stream.indirect.scatter.add.f32 [tilespmem:s17], [sflag:$0x3], $0x80, s29, s16, $0xb8;
	[tilespmem:$0x1E800] =	vst v63  }
0x29: {  	_ =	swait.ge [sflag:s14], $0x4000  }
0x2a: {  	[sflag:s14] =	ssyncset.done $0x0  }
0x2b: {  	s30 =	simm.s32 $0x100;
	[sflag:s14] =	ssyncadd.s32 $0xFFFFC000  }
0x2c: {  	[tilespmem:s17], [sflag:$0x1] =	stream.indirect.gather [hbm4b:s4+s16], $0x80, s30, s16, $0xb8;
	[tilespmem:$0x1E800] =	vst v63  }
0x2d: {  	_ =	swait.ge [sflag:s20], $0x4000  }
0x2e: {  	[sflag:s20] =	ssyncset.done $0x0  }
0x2f: {  	s31 =	simm.s32 $0x1480;
	[sflag:s20] =	ssyncadd.s32 $0xFFFFC000  }
0x30: {  	[spmem:s2] =	stream.indirect.scatter.add.f32 [tilespmem:s18], [sflag:$0x3], $0x80, s31, s16, $0xb8;
	[tilespmem:$0x1E800] =	vst v63  }
0x31: {  	_ =	swait.ge [sflag:s14], $0x4000  }
0x32: {  	s26 =	simm.s32 $0x800;
	s25 =	simm.s32 $0x100;
	[sflag:s14] =	ssyncset.done $0x0  }
.LBB2_2:
0x33: {  	s28 =	sadd.s32 $0x80, s25  }
0x34: {  	[sflag:s14] =	ssyncadd.s32 $0xFFFFC000;
	s29 =	smov.u32 s26;
	s30 =	sadd.s32 $0x400, s26  }
0x35: {  	[tilespmem:s18], [sflag:$0x2] =	stream.indirect.gather [hbm4b:s4+s16], $0x80, s28, s16, $0xb8;
	[tilespmem:$0x1E800] =	vst v63  }
0x36: {  	p0 =	sne.s32 s26, $0x4800;
	_ =	swait.ge [sflag:s19], $0x4000  }
0x37: {  	[sflag:s19] =	ssyncset.done $0x0  }
0x38: {  	s26 =	sadd.s32 $0x1400, s25;
	[sflag:s19] =	ssyncadd.s32 $0xFFFFC000  }
0x39: {  	[spmem:s2] =	stream.indirect.scatter.add.f32 [tilespmem:s17], [sflag:$0x3], $0x80, s26, s16, $0xb8;
	[tilespmem:$0x1E800] =	vst v63  }
0x3a: {  	_ =	swait.ge [sflag:s14], $0x4000  }
0x3b: {  	[sflag:s14] =	ssyncset.done $0x0  }
0x3c: {  	s26 =	sadd.s32 $0x100, s25;
	[sflag:s14] =	ssyncadd.s32 $0xFFFFC000  }
0x3d: {  	[tilespmem:s17], [sflag:$0x1] =	stream.indirect.gather [hbm4b:s4+s16], $0x80, s26, s16, $0xb8;
	[tilespmem:$0x1E800] =	vst v63  }
0x3e: {  	_ =	swait.ge [sflag:s20], $0x4000  }
.Ltmp0:
0x3f: {  	[sflag:s20] =	ssyncset.done $0x0;
	(pc) =	sbr.rel @p0 .LBB2_2-.Ltmp0, $4  }
0x40: {  	s25 =	sadd.s32 $0x1480, s25;
	[sflag:s20] =	ssyncadd.s32 $0xFFFFC000  }
0x41: {  	[spmem:s2] =	stream.indirect.scatter.add.f32 [tilespmem:s18], [sflag:$0x3], $0x80, s25, s16, $0xb8;
	[tilespmem:$0x1E800] =	vst v63  }
0x42: {  	_ =	swait.ge [sflag:s14], $0x4000  }
0x43: {  	s26 =	smov.u32 s30;
	s25 =	sshra.s32 s29, $0x2;
	[sflag:s14] =	ssyncset.done $0x0  }
0x44: {  	s26 =	sadd.s32 $0x80, s25;
	[sflag:s14] =	ssyncadd.s32 $0xFFFFC000  }
0x45: {  	[tilespmem:s18], [sflag:$0x2] =	stream.indirect.gather [hbm4b:s4+s16], $0x80, s26, s16, $0xb8;
	[tilespmem:$0x1E800] =	vst v63  }
0x46: {  	_ =	swait.ge [sflag:s19], $0x4000  }
0x47: {  	[sflag:s19] =	ssyncset.done $0x0  }
0x48: {  	s29 =	sadd.s32 $0x1400, s25;
	[sflag:s19] =	ssyncadd.s32 $0xFFFFC000  }
0x49: {  	[spmem:s2] =	stream.indirect.scatter.add.f32 [tilespmem:s17], [sflag:$0x3], $0x80, s29, s16, $0xb8;
	[tilespmem:$0x1E800] =	vst v63  }
0x4a: {  	_ =	swait.ge [sflag:s14], $0x4000  }
0x4b: {  	[sflag:s14] =	ssyncset.done $0x0  }
0x4c: {  	s30 =	sadd.s32 $0x100, s25;
	[sflag:s14] =	ssyncadd.s32 $0xFFFFC000  }
0x4d: {  	[tilespmem:s17], [sflag:$0x1] =	stream.indirect.gather [hbm4b:s4+s16], $0x80, s30, s16, $0xb8;
	[tilespmem:$0x1E800] =	vst v63  }
0x4e: {  	_ =	swait.ge [sflag:s20], $0x4000  }
0x4f: {  	[sflag:s20] =	ssyncset.done $0x0  }
0x50: {  	s31 =	sadd.s32 $0x1480, s25;
	[sflag:s20] =	ssyncadd.s32 $0xFFFFC000  }
0x51: {  	[spmem:s2] =	stream.indirect.scatter.add.f32 [tilespmem:s18], [sflag:$0x3], $0x80, s31, s16, $0xb8;
	[tilespmem:$0x1E800] =	vst v63  }
0x52: {  	_ =	swait.ge [sflag:s14], $0x4000  }
0x53: {  	[sflag:s14] =	ssyncset.done $0x0  }
0x54: {  	[sflag:s14] =	ssyncadd.s32 $0xFFFFC000  }
0x55: {  	[tilespmem:s18], [sflag:$0x2] =	stream.indirect.gather [hbm4b:s4+s16], $0x80, s21, s16, $0xb8;
	[tilespmem:$0x1E800] =	vst v63  }
0x56: {  	_ =	swait.ge [sflag:s19], $0x4000  }
0x57: {  	[sflag:s19] =	ssyncset.done $0x0  }
0x58: {  	[sflag:s19] =	ssyncadd.s32 $0xFFFFC000  }
0x59: {  	[spmem:s2] =	stream.indirect.scatter.add.f32 [tilespmem:s17], [sflag:$0x3], $0x80, s22, s16, $0xb8;
	[tilespmem:$0x1E800] =	vst v63  }
0x5a: {  	_ =	swait.ge [sflag:s14], $0x4000  }
0x5b: {  	[sflag:s14] =	ssyncset.done $0x0  }
0x5c: {  	[sflag:s14] =	ssyncadd.s32 $0xFFFFC000  }
0x5d: {  	_ =	swait.ge [sflag:s20], $0x4000  }
0x5e: {  	[sflag:s20] =	ssyncset.done $0x0  }
0x5f: {  	[sflag:s20] =	ssyncadd.s32 $0xFFFFC000  }
0x60: {  	[spmem:s2] =	stream.indirect.scatter.add.f32 [tilespmem:s18], [sflag:$0x3], $0x80, s23, s16, $0xb8;
	[tilespmem:$0x1E800] =	vst v63  }
0x61: {  	_ =	swait.ge [sflag:s14], $0x4000  }
0x62: {  	[sflag:s14] =	ssyncset.done $0x0  }
0x63: {  	s26 =	simm.s32 $0x0;
	[sflag:s14] =	ssyncadd.s32 $0xFFFFC000  }
0x64: {  	[tilespmem:s26], [sflag:$0x3] =	stream.linear.gather [hbm4b:s9+s26], $0x1400, $0x38;
	[tilespmem:$0x1E800] =	vst v63  }
0x65: {  	_ =	swait.ge [sflag:s14], $0x1400  }
0x66: {  	[sflag:s14] =	ssyncset.done $0x0  }
0x67: {  	[sflag:s14] =	ssyncadd.s32 $0xFFFFEC00  }
0x68: {  	[tilespmem:s15], [sflag:$0x3] =	stream.linear.gather [hbm4b:s10+s26], $0x1400, $0x38;
	[tilespmem:$0x1E800] =	vst v63  }
0x69: {  	_ =	swait.ge [sflag:s14], $0x1400  }
0x6a: {  	[sflag:s14] =	ssyncset.done $0x0  }
0x6b: {  	[sflag:s14] =	ssyncadd.s32 $0xFFFFEC00  }
0x6c: {  	[tilespmem:s17], [sflag:$0x1] =	stream.indirect.gather [hbm4b:s4+s16], $0x80, s26, s16, $0xb8;
	[tilespmem:$0x1E800] =	vst v63  }
0x6d: {  	s28 =	simm.s32 $0x80  }
0x6e: {  	[tilespmem:s18], [sflag:$0x2] =	stream.indirect.gather [hbm4b:s4+s16], $0x80, s28, s16, $0xb8;
	[tilespmem:$0x1E800] =	vst v63  }
0x6f: {  	_ =	swait.ge [sflag:s19], $0x4000  }
0x70: {  	[sflag:s19] =	ssyncset.done $0x0  }
0x71: {  	s29 =	simm.s32 $0x1400;
	[sflag:s19] =	ssyncadd.s32 $0xFFFFC000  }
0x72: {  	[spmem:s2] =	stream.indirect.scatter.add.f32 [tilespmem:s17], [sflag:$0x3], $0x80, s29, s16, $0xb8;
	[tilespmem:$0x1E800] =	vst v63  }
0x73: {  	_ =	swait.ge [sflag:s14], $0x4000  }
0x74: {  	[sflag:s14] =	ssyncset.done $0x0  }
0x75: {  	s30 =	simm.s32 $0x100;
	[sflag:s14] =	ssyncadd.s32 $0xFFFFC000  }
0x76: {  	[tilespmem:s17], [sflag:$0x1] =	stream.indirect.gather [hbm4b:s4+s16], $0x80, s30, s16, $0xb8;
	[tilespmem:$0x1E800] =	vst v63  }
0x77: {  	_ =	swait.ge [sflag:s20], $0x4000  }
0x78: {  	[sflag:s20] =	ssyncset.done $0x0  }
0x79: {  	s31 =	simm.s32 $0x1480;
	[sflag:s20] =	ssyncadd.s32 $0xFFFFC000  }
0x7a: {  	[spmem:s2] =	stream.indirect.scatter.add.f32 [tilespmem:s18], [sflag:$0x3], $0x80, s31, s16, $0xb8;
	[tilespmem:$0x1E800] =	vst v63  }
0x7b: {  	_ =	swait.ge [sflag:s14], $0x4000  }
0x7c: {  	s25 =	simm.s32 $0x100;
	s26 =	simm.s32 $0x800;
	[sflag:s14] =	ssyncset.done $0x0  }
.LBB2_4:
0x7d: {  	s28 =	sadd.s32 $0x80, s25  }
0x7e: {  	[sflag:s14] =	ssyncadd.s32 $0xFFFFC000;
	s29 =	smov.u32 s26;
	s30 =	sadd.s32 $0x400, s26  }
0x7f: {  	[tilespmem:s18], [sflag:$0x2] =	stream.indirect.gather [hbm4b:s4+s16], $0x80, s28, s16, $0xb8;
	[tilespmem:$0x1E800] =	vst v63  }
0x80: {  	p0 =	sne.s32 s26, $0x4800;
	_ =	swait.ge [sflag:s19], $0x4000  }
0x81: {  	[sflag:s19] =	ssyncset.done $0x0  }
0x82: {  	s26 =	sadd.s32 $0x1400, s25;
	[sflag:s19] =	ssyncadd.s32 $0xFFFFC000  }
0x83: {  	[spmem:s2] =	stream.indirect.scatter.add.f32 [tilespmem:s17], [sflag:$0x3], $0x80, s26, s16, $0xb8;
	[tilespmem:$0x1E800] =	vst v63  }
0x84: {  	_ =	swait.ge [sflag:s14], $0x4000  }
0x85: {  	[sflag:s14] =	ssyncset.done $0x0  }
0x86: {  	s26 =	sadd.s32 $0x100, s25;
	[sflag:s14] =	ssyncadd.s32 $0xFFFFC000  }
0x87: {  	[tilespmem:s17], [sflag:$0x1] =	stream.indirect.gather [hbm4b:s4+s16], $0x80, s26, s16, $0xb8;
	[tilespmem:$0x1E800] =	vst v63  }
0x88: {  	_ =	swait.ge [sflag:s20], $0x4000  }
.Ltmp1:
0x89: {  	[sflag:s20] =	ssyncset.done $0x0;
	(pc) =	sbr.rel @p0 .LBB2_4-.Ltmp1, $4  }
0x8a: {  	s25 =	sadd.s32 $0x1480, s25;
	[sflag:s20] =	ssyncadd.s32 $0xFFFFC000  }
0x8b: {  	[spmem:s2] =	stream.indirect.scatter.add.f32 [tilespmem:s18], [sflag:$0x3], $0x80, s25, s16, $0xb8;
	[tilespmem:$0x1E800] =	vst v63  }
0x8c: {  	_ =	swait.ge [sflag:s14], $0x4000  }
0x8d: {  	s26 =	smov.u32 s30;
	s25 =	sshra.s32 s29, $0x2;
	[sflag:s14] =	ssyncset.done $0x0  }
0x8e: {  	s26 =	sadd.s32 $0x80, s25;
	[sflag:s14] =	ssyncadd.s32 $0xFFFFC000  }
0x8f: {  	[tilespmem:s18], [sflag:$0x2] =	stream.indirect.gather [hbm4b:s4+s16], $0x80, s26, s16, $0xb8;
	[tilespmem:$0x1E800] =	vst v63  }
0x90: {  	_ =	swait.ge [sflag:s19], $0x4000  }
0x91: {  	[sflag:s19] =	ssyncset.done $0x0  }
0x92: {  	s29 =	sadd.s32 $0x1400, s25;
	[sflag:s19] =	ssyncadd.s32 $0xFFFFC000  }
0x93: {  	[spmem:s2] =	stream.indirect.scatter.add.f32 [tilespmem:s17], [sflag:$0x3], $0x80, s29, s16, $0xb8;
	[tilespmem:$0x1E800] =	vst v63  }
0x94: {  	_ =	swait.ge [sflag:s14], $0x4000  }
0x95: {  	[sflag:s14] =	ssyncset.done $0x0  }
0x96: {  	s30 =	sadd.s32 $0x100, s25;
	[sflag:s14] =	ssyncadd.s32 $0xFFFFC000  }
0x97: {  	[tilespmem:s17], [sflag:$0x1] =	stream.indirect.gather [hbm4b:s4+s16], $0x80, s30, s16, $0xb8;
	[tilespmem:$0x1E800] =	vst v63  }
0x98: {  	_ =	swait.ge [sflag:s20], $0x4000  }
0x99: {  	[sflag:s20] =	ssyncset.done $0x0  }
0x9a: {  	s31 =	sadd.s32 $0x1480, s25;
	[sflag:s20] =	ssyncadd.s32 $0xFFFFC000  }
0x9b: {  	[spmem:s2] =	stream.indirect.scatter.add.f32 [tilespmem:s18], [sflag:$0x3], $0x80, s31, s16, $0xb8;
	[tilespmem:$0x1E800] =	vst v63  }
0x9c: {  	_ =	swait.ge [sflag:s14], $0x4000  }
0x9d: {  	[sflag:s14] =	ssyncset.done $0x0  }
0x9e: {  	[sflag:s14] =	ssyncadd.s32 $0xFFFFC000  }
0x9f: {  	[tilespmem:s18], [sflag:$0x2] =	stream.indirect.gather [hbm4b:s4+s16], $0x80, s21, s16, $0xb8;
	[tilespmem:$0x1E800] =	vst v63  }
0xa0: {  	_ =	swait.ge [sflag:s19], $0x4000  }
0xa1: {  	[sflag:s19] =	ssyncset.done $0x0  }
0xa2: {  	[sflag:s19] =	ssyncadd.s32 $0xFFFFC000  }
0xa3: {  	[spmem:s2] =	stream.indirect.scatter.add.f32 [tilespmem:s17], [sflag:$0x3], $0x80, s22, s16, $0xb8;
	[tilespmem:$0x1E800] =	vst v63  }
0xa4: {  	_ =	swait.ge [sflag:s14], $0x4000  }
0xa5: {  	[sflag:s14] =	ssyncset.done $0x0  }
0xa6: {  	[sflag:s14] =	ssyncadd.s32 $0xFFFFC000  }
0xa7: {  	_ =	swait.ge [sflag:s20], $0x4000  }
0xa8: {  	[sflag:s20] =	ssyncset.done $0x0  }
0xa9: {  	[sflag:s20] =	ssyncadd.s32 $0xFFFFC000  }
0xaa: {  	[spmem:s2] =	stream.indirect.scatter.add.f32 [tilespmem:s18], [sflag:$0x3], $0x80, s23, s16, $0xb8;
	[tilespmem:$0x1E800] =	vst v63  }
0xab: {  	_ =	swait.ge [sflag:s14], $0x4000  }
0xac: {  	s24 =	sadd.s32 $0x1, s24;
	[sflag:s14] =	ssyncset.done $0x0  }
0xad: {  	p0 =	sne.s32 s24, s12;
	[sflag:s14] =	ssyncadd.s32 $0xFFFFC000  }
.Ltmp2:
0xae: {  	[bflag:$0x0] =	sbarrier.arrive $0xFFFF;
	(pc) =	sbr.rel @p0 .LBB2_1-.Ltmp2, $4  }
0xaf: {  	[hbm:s11], [sflag:s6] =	dma.local [spmem:s13], $0x2800  }
0xb0: {  	_ =	swait.ge [sflag:s14], $0x2800  }
0xb1: {  	[sflag:s14] =	ssyncset.done $0x0  }
0xb2: {  	[sflag:s14] =	ssyncadd.s32 $0xFFFFD800  }
0xb3: {  	_ =	sfence.sel $0x180000  }
0xb4: {  	[bflag:$0x0] =	sbarrier.arrive $0xFFFF  }
0xb5: {  	p0 =	sne.s32 s1, $0x0;
	_ =	strace $0x9000004A  }
0xb6: {  	s0 =	sadd.s32 @!p0 $0x100000, s0;
	[bflag:$0x2] =	sbarrier.arrive $0xFFFF  }
0xb7: {  	[sflag:s0] =	ssyncadd.tile.s32 @!p0 $0x1;
	_ =	shalt  }
.Lfunc_end2:
_tile_overlayer_lowered:
.L_overlay_start_2:
0xb8: {  	(tag) =	ssettag $0x2  }
0xb9: {  	s0 =	rddreg [dreg:$0x0];
	s2 =	stileid.u32  }
0xba: {  	s1 =	rddreg [dreg:$0x1];
	p0 =	sne.s32 s2, $0x0  }
0xbb: {  	s3 =	rddreg [dreg:$0x2];
	[bflag:$0x3] =	sbarrier.arrive $0xFFFF;
	s2 =	simm.s32 @!p0 $0x1C03  }
0xbc: {  	[timem:s3], [sflag:s2] =	dma.local @!p0 [hbm:s0], s1  }
0xbd: {  	s0 =	simm.s32 @!p0 $0x3  }
0xbe: {  	_ =	swait.ge @!p0 [sflag:s0], s1  }
0xbf: {  	s1 =	ssub.s32 @!p0 $0x0, s1;
	[sflag:s0] =	ssyncset.done @!p0 $0x0  }
0xc0: {  	[sflag:s0] =	ssyncadd.s32 @!p0 s1  }
0xc1: {  	[bflag:$0x3] =	sbarrier.arrive $0xFFFF  }
0xc2: {  	_ =	shalt  }

// kernel: kernel.14.cloned.1.call-start
scs
__scs_entry_jumppad:
0x0: {  	(pc) =	sbr.rel $0x88, $3  }
0x1: {  	(tag) =	ssettag $0x0;
	lr =	simm.s32 $0x1  }
0x2: {  	[smem:$0x3F98] =	sst lr;
	_ =	strace $0xD0000000  }
0x3: {  	_ = 	snop  }
0x4: {  	_ = 	snop  }
0x5: {  	_ = 	snop  }
0x6: {  	_ = 	snop  }
0x7: {  	_ = 	snop  }
__scs_overlays_trampoline_lowered:
0x8: {  	[smem:$0x3FA7] =	sst s0  }
0x9: {  	[smem:$0x3FA8] =	sst s1  }
0xa: {  	[smem:$0x3FA9] =	sst s2  }
0xb: {  	[smem:$0x3FAA] =	sst s3  }
0xc: {  	[smem:$0x3FAB] =	sst s4  }
0xd: {  	[smem:$0x3FAC] =	sst s5  }
0xe: {  	[smem:$0x3FAD] =	sst s6  }
0xf: {  	[smem:$0x3FAE] =	sst s7  }
0x10: {  	[smem:$0x3FAF] =	sst s8  }
0x11: {  	[smem:$0x3FB0] =	sst s9;
	s0 =	simm.s32 @!p0 $0x0  }
0x12: {  	s1 =	sld [smem:$0x3F96];
	s0 =	simm.s32 @p0 $0x1  }
0x13: {  	[smem:$0x3FB1] =	sst s0;
	s0 =	simm.s32 @!p1 $0x0  }
0x14: {  	s2 =	sld [smem:$0x3F95];
	s0 =	simm.s32 @p1 $0x1  }
0x15: {  	[smem:$0x3FB2] =	sst s0;
	s0 =	simm.s32 @!p2 $0x0  }
0x16: {  	s3 =	sld [smem:$0x3FDB];
	s0 =	simm.s32 @p2 $0x1  }
0x17: {  	s4 =	simm.s32 $0x1BF5;
	[smem:$0x3FB4] =	sst s0  }
0x18: {  	s0 =	sld [smem:$0x3F97];
	_ =	swait.ge [sflag:s4], $0x0  }
0x19: {  	s7 =	sld [smem:$0x3F98]  }
0x1a: {  	s8 =	sadd.s32 $0xFFFFE003, lr  }
0x1b: {  	s9 =	sadd.s32 $0xFFFFFEF7, lr;
	s5 =	simm.s32 $0xFFFFFFFF;
	p2 =	slt.u32 s8, $0xFFFFF086  }
0x1c: {  	p1 =	slt.u32 s9, $0xF7A;
	s5 =	simm.s32 @!p2 $0x0  }
0x1d: {  	s5 =	simm.s32 @p1 $0x1;
	p0 =	seq.s32 s7, s2  }
0x1e: {  	s7 =	smul.u32 @!p0 $0xF7A, s2;
	p2 =	seq.s32 @!p0 s5, $0x0  }
0x1f: {  	s9 =	smul.u32 $0xF7A, s1;
	s8 =	simm.s32 @!p0 $0x1BF5;
	p2 =	por !p2, p0  }
0x20: {  	[sflag:s8] =	ssyncset.s32 @!p0 $0xFFFFF086;
	s6 =	sadd.s32 @!p0 s3, s7;
	s7 =	simm.s32 @!p0 $0x108  }
0x21: {  	s3 =	sadd.s32 s3, s9;
	s6 =	sadd.s32 @!p0 $0x88, s6;
	s7 =	simm.s32 @p2 $0x1082  }
0x22: {  	[simem:s7], [sflag:s8] =	dma.local @!p0 [hbm:s6], $0xF7A  }
0x23: {  	s9 =	sor.u32 $0xD0000000, s2;
	s6 =	simm.s32 $0x108;
	_ =	swait.ge @!p0 [sflag:s8], $0x0  }
0x24: {  	s3 =	sadd.s32 $0x88, s3;
	s6 =	simm.s32 @!p1 $0x1082;
	[sflag:s4] =	ssyncset.s32 $0xFFFFF086  }
0x25: {  	[simem:s6], [sflag:s4] =	dma.local [hbm:s3], $0xF7A  }
0x26: {  	[smem:$0x3F98] =	sst s1;
	(tag) =	ssettag s2;
	_ =	strace s9  }
0x27: {  	s1 =	sld [smem:$0x3FA8]  }
0x28: {  	s2 =	sld [smem:$0x3FA9]  }
0x29: {  	s4 =	sld [smem:$0x3FAB]  }
0x2a: {  	p0 =	seq.s32 s5, $0x0;
	s5 =	sld [smem:$0x3FAC]  }
0x2b: {  	s6 =	sld [smem:$0x3FAD]  }
0x2c: {  	s7 =	sld [smem:$0x3FAE]  }
0x2d: {  	s3 =	simm.s32 $0x108;
	s8 =	sld [smem:$0x3FAF]  }
0x2e: {  	s3 =	simm.s32 @!p0 $0x1082;
	s9 =	sld [smem:$0x3FB0]  }
0x2f: {  	lr =	sadd.s32 s0, s3;
	s0 =	sld [smem:$0x3FA7]  }
0x30: {  	s3 =	sld [smem:$0x3FAA]  }
0x31: {  	[smem:$0x3FB3] =	sst s10  }
0x32: {  	s10 =	sld [smem:$0x3FB1];
	_ =	sdelay $0x3  }
0x33: {  	p0 =	seq.s32 s10, $0x1;
	s10 =	sld [smem:$0x3FB3];
	_ =	sdelay $0x3  }
0x34: {  	[smem:$0x3FB3] =	sst s10  }
0x35: {  	s10 =	sld [smem:$0x3FB2];
	_ =	sdelay $0x3  }
0x36: {  	p1 =	seq.s32 s10, $0x1;
	s10 =	sld [smem:$0x3FB3];
	_ =	sdelay $0x3  }
0x37: {  	[smem:$0x3FB3] =	sst s10  }
0x38: {  	s10 =	sld [smem:$0x3FB4]  }
0x39: {  	_ = 	snop;
	(pc) =	sbr.ind lr, $3  }
0x3a: {  	_ = 	snop  }
0x3b: {  	_ = 	snop  }
0x3c: {  	p2 =	seq.s32 s10, $0x1;
	s10 =	sld [smem:$0x3FB3]  }
0x3d: {  	_ =	shalt  }
0x3e: {  	_ =	shalt  }
0x3f: {  	_ =	shalt  }
0x40: {  	_ =	shalt  }
0x41: {  	_ =	shalt  }
0x42: {  	_ =	shalt  }
0x43: {  	_ =	shalt  }
0x44: {  	_ =	shalt  }
0x45: {  	_ =	shalt  }
0x46: {  	_ =	shalt  }
0x47: {  	_ =	shalt  }
0x48: {  	_ =	shalt  }
0x49: {  	_ =	shalt  }
0x4a: {  	_ =	shalt  }
0x4b: {  	_ =	shalt  }
0x4c: {  	_ =	shalt  }
0x4d: {  	_ =	shalt  }
0x4e: {  	_ =	shalt  }
0x4f: {  	_ =	shalt  }
0x50: {  	_ =	shalt  }
0x51: {  	_ =	shalt  }
0x52: {  	_ =	shalt  }
0x53: {  	_ =	shalt  }
0x54: {  	_ =	shalt  }
0x55: {  	_ =	shalt  }
0x56: {  	_ =	shalt  }
0x57: {  	_ =	shalt  }
0x58: {  	_ =	shalt  }
0x59: {  	_ =	shalt  }
0x5a: {  	_ =	shalt  }
0x5b: {  	_ =	shalt  }
0x5c: {  	_ =	shalt  }
0x5d: {  	_ =	shalt  }
0x5e: {  	_ =	shalt  }
0x5f: {  	_ =	shalt  }
0x60: {  	_ =	shalt  }
0x61: {  	_ =	shalt  }
0x62: {  	_ =	shalt  }
0x63: {  	_ =	shalt  }
0x64: {  	_ =	shalt  }
0x65: {  	_ =	shalt  }
0x66: {  	_ =	shalt  }
0x67: {  	_ =	shalt  }
0x68: {  	_ =	shalt  }
0x69: {  	_ =	shalt  }
0x6a: {  	_ =	shalt  }
0x6b: {  	_ =	shalt  }
0x6c: {  	_ =	shalt  }
0x6d: {  	_ =	shalt  }
0x6e: {  	_ =	shalt  }
0x6f: {  	_ =	shalt  }
0x70: {  	_ =	shalt  }
0x71: {  	_ =	shalt  }
0x72: {  	_ =	shalt  }
0x73: {  	_ =	shalt  }
0x74: {  	_ =	shalt  }
0x75: {  	_ =	shalt  }
0x76: {  	_ =	shalt  }
0x77: {  	_ =	shalt  }
0x78: {  	_ =	shalt  }
0x79: {  	_ =	shalt  }
0x7a: {  	_ =	shalt  }
0x7b: {  	_ =	shalt  }
0x7c: {  	_ =	shalt  }
0x7d: {  	_ =	shalt  }
0x7e: {  	_ =	shalt  }
0x7f: {  	_ =	shalt  }
0x80: {  	_ =	shalt  }
0x81: {  	_ =	shalt  }
0x82: {  	_ =	shalt  }
0x83: {  	_ =	shalt  }
0x84: {  	_ =	shalt  }
0x85: {  	_ =	shalt  }
0x86: {  	_ =	shalt  }
0x87: {  	_ =	shalt  }
.Lfunc_end0:
.L_simem_size_0:
called_computation.2_lowered:
.L_overlay_start_0:
0x88: {  	s2 =	sld [smem:$0x3FD9]  }
0x89: {  	s3 =	sld [smem:$0x3FFE];
	_ =	sdelay $0x1  }
0x8a: {  	s1 =	srdreg.scid  }
0x8b: {  	s0 =	sand.u32 $0x1, s1  }
0x8c: {  	s14 =	sshll.u32 s0, $0xA;
	s2 =	sadd.s32 s3, s2  }
0x8d: {  	s2 =	sadd.s32 s2, s14  }
0x8e: {  	[smem:$0x3FBF] =	sst s2  }
0x8f: {  	_ = 	snop  }
0x90: {  	s2 =	sld [smem:$0x3FD0];
	_ =	sdelay $0x2  }
0x91: {  	s15 =	simm.s32 $0xA;
	s4 =	simm.s32 $0x10  }
0x92: {  	[smem:s4], [sflag:s15] =	dma.local [hbm:s2], $0x1  }
0x93: {  	_ =	swait.eq [sflag:s15], $0x1  }
0x94: {  	[sflag:s15] =	ssyncset.done $0x0  }
0x95: {  	s16 =	sld [smem:$0x10];
	[sflag:s15] =	ssyncadd.s32 $0xFFFFFFFF  }
0x96: {  	s17 =	sld [smem:$0x11];
	(tm) =	ssettm $0x1  }
0x97: {  	s18 =	sld [smem:$0x3FFB];
	_ =	sdelay $0x3  }
0x98: {  	_ =	strace s18  }
0x99: {  	s4 =	sld [smem:$0x3FFC];
	_ =	sdelay $0x3  }
0x9a: {  	_ =	strace s4  }
0x9b: {  	s4 =	sld [smem:$0x3FFD];
	_ =	sdelay $0x3  }
0x9c: {  	_ =	strace s4  }
0x9d: {  	_ =	strace $0x8FFFFFFF  }
0x9e: {  	s19 =	sld [smem:$0x3FDB];
	_ =	sdelay $0x1  }
0x9f: {  	s5 =	simm.s32 $_scs_section_size  }
0xa0: {  	s6 =	simm.s32 $_size__tile_overlayer_lowered;
	s7 =	simm.s32 $_tile_overlayer_lowered  }
0xa1: {  	s22 =	simm.s32 $0x1BFF;
	s21 =	sshll.u32 s7, $0x1;
	s4 =	sadd.s32 s5, s19  }
0xa2: {  	s8 =	simm.s32 $0x0;
	s20 =	sshll.u32 s6, $0x1;
	s6 =	sadd.s32 s21, s4  }
0xa3: {  	[timem:s8], [sflag:s22] =	dma.local [hbm:s6], s20  }
0xa4: {  	_ =	swait.ge [sflag:s22], s20  }
0xa5: {  	s5 =	ssub.s32 $0x0, s20;
	[sflag:s22] =	ssyncset.done $0x0  }
0xa6: {  	[sflag:s22] =	ssyncadd.s32 s5;
	_ =	sdelay $0x1  }
0xa7: {  	s23 =	simm.s32 $0x1B8B  }
0xa8: {  	_ =	swait.ge [sflag:s23], $0x1  }
0xa9: {  	[sflag:s23] =	ssyncset.done $0x0  }
0xaa: {  	s25 =	simm.s32 $0x1B8E;
	s24 =	sld [smem:$0x3FFE];
	[sflag:s23] =	ssyncadd.s32 $0xFFFFFFFF  }
0xab: {  	s26 =	simm.s32 $execute0_lowered;
	[smem:$0x3FD2] =	sst s25  }
0xac: {  	s6 =	sshll.u32 s26, $0x1;
	_ =	strace $0x8000004C;
	[dreg:$0x1] =	wrdreg $0xFFFFFFFF  }
0xad: {  	s28 =	simm.s32 $_size_execute0_lowered;
	s4 =	sadd.s32 s4, s6;
	[dreg:$0x0] =	wrdreg $0x0  }
0xae: {  	s6 =	sshll.u32 s28, $0x1;
	[dreg:$0x2] =	wrdreg s4  }
0xaf: {  	[dreg:$0x3] =	wrdreg s6  }
0xb0: {  	[dreg:$0x4] =	wrdreg $0xC0  }
0xb1: {  	_ =	task [dreg:s8], $0x5FFFF  }
0xb2: {  	[dreg:$0x1] =	wrdreg $0xFFFFFFFF  }
0xb3: {  	[dreg:$0x0] =	wrdreg $0x60  }
0xb4: {  	[dreg:$0x2] =	wrdreg s24  }
0xb5: {  	[dreg:$0x3] =	wrdreg s16  }
0xb6: {  	[dreg:$0x4] =	wrdreg s17  }
0xb7: {  	[dreg:$0x5] =	wrdreg $0xA8000  }
0xb8: {  	[dreg:$0x6] =	wrdreg $0x9  }
0xb9: {  	_ =	task.clear_ibuf [dreg:s8], $0x7FFFF;
	_ =	strace $0x9000004C  }
0xba: {  	s29 =	simm.s32 $0x9;
	_ =	strace $0x8000004E  }
0xbb: {  	_ =	swait.ge [sflag:s29], $0x1  }
0xbc: {  	[sflag:s29] =	ssyncadd.s32 $0xFFFFFFFF  }
0xbd: {  	_ =	strace $0x9000004E  }
0xbe: {  	_ =	sfence  }
0xbf: {  	s30 =	sld [smem:$0x0];
	_ =	sdelay $0x2  }
0xc0: {  	s31 =	sshll.u32 s1, $0xD;
	s1 =	sshrl.u32 s1, $0x2  }
0xc1: {  	s3 =	sand.u32 $0x4000, s31;
	s1 =	sadd.s32 s1, s30  }
0xc2: {  	s0 =	sor.u32 s3, s0;
	s1 =	sshll.u32 s1, $0x11  }
0xc3: {  	s0 =	sor.u32 s1, s0  }
0xc4: {  	s0 =	sadd.s32 $0x8F2B, s0  }
0xc5: {  	[sflag:s0] =	ssyncadd.remote.s32 $0x1  }
0xc6: {  	_ =	sfence.sel $0xFFFF  }
0xc7: {  	[dreg:$0x0] =	wrdreg $0xFFFFFFFF;
	(pc) =	sbr.abs _section_cstart, $3  }
0xc8: {  	[dreg:$0x1] =	wrdreg $0xFFFFFFFF  }
0xc9: {  	_ =	task.clear_ibuf [dreg:s8], $0x2FFFF;
	_ =	strace $0x9FFFFFFF  }
0xca: {  	(tm) =	ssettm $0x7FFFFFFF  }
0xcb: {  	_ =	shalt  }
tec
execute0_lowered:
.L_overlay_start_1:
0x0: {  	(tag) =	ssettag $0x1  }
0x1: {  	s5 =	rddreg [dreg:$0x0]  }
0x2: {  	s9 =	rddreg [dreg:$0x1]  }
0x3: {  	s10 =	rddreg [dreg:$0x2]  }
0x4: {  	s2 =	rddreg [dreg:$0x3]  }
0x5: {  	s0 =	rddreg [dreg:$0x4];
	s3 =	simm.s32 $0x0  }
0x6: {  	s1 =	stileid.u32;
	s4 =	srdreg.scid;
	s17 =	simm.s32 $0x2800  }
0x7: {  	s18 =	simm.s32 $0x6800;
	s19 =	simm.s32 $0x1;
	s20 =	simm.s32 $0x2  }
0x8: {  	s21 =	simm.s32 $0x1380;
	s22 =	simm.s32 $0x2700;
	s23 =	simm.s32 $0x2780  }
0x9: {  	s24 =	simm.s32 $0x0;
	[smem:$0x7FF] =	sst s3;
	s6 =	smul.u32 $0x2800, s1  }
0xa: {  	s7 =	sand.u32 $0x1, s4;
	s4 =	sadd.s32 $0x2B000, s5;
	s12 =	smul.u32 $0x50000, s1  }
0xb: {  	s14 =	sshll.u32 s1, $0x1;
	s29 =	sshll.u32 s1, $0x6;
	_ =	strace $0x8000004D  }
0xc: {  	s11 =	smul.u32 $0x28000, s7;
	s13 =	sshll.u32 s7, $0x5;
	s7 =	ssub.s32 $0x2, s7  }
0xd: {  	s8 =	sadd.s32 s6, s5;
	s26 =	sor.u32 s14, s13;
	s28 =	sshrl.u32 s7, $0x1  }
0xe: {  	s12 =	sshrl.u32 s12, $0x2;
	s6 =	sadd.s32 s6, s11;
	s14 =	smul.u32 $0x1400, s26  }
0xf: {  	s13 =	ssub.s32 s7, s28;
	s16 =	sadd.s32 s12, s2;
	s11 =	smul.u32 $0x280, s26  }
0x10: {  	s15 =	sadd.s32 s6, s5;
	s5 =	sadd.s32 $0x3000, s8;
	s6 =	sor.u32 $0x1C03, s29  }
0x11: {  	s12 =	smax.u32 s13, $0x1;
	s13 =	sshrl.u32 s16, $0x3;
	s16 =	simm.s32 $0x80  }
0x12: {  	s30 =	sshrl.u32 s14, $0x3;
	s7 =	sadd.s32 s9, s11;
	s8 =	sadd.s32 s10, s11  }
0x13: {  	s11 =	sadd.s32 $0xA3000, s15;
	s14 =	simm.s32 $0x3;
	s31 =	sadd.s32 $0x280, s30  }
0x14: {  	s15 =	simm.s32 $0x1400;
	s9 =	sadd.s32 s9, s31;
	s10 =	sadd.s32 s10, s31  }
.LBB2_1:
0x15: {  	[spmem:s13], [sflag:s6] =	dma.local [hbm:s5], $0x2800  }
0x16: {  	_ =	swait.ge [sflag:s14], $0x2800  }
0x17: {  	[sflag:s14] =	ssyncset.done $0x0  }
0x18: {  	[sflag:s14] =	ssyncadd.s32 $0xFFFFD800  }
0x19: {  	[bflag:$0x0] =	sbarrier.arrive $0xFFFF  }
0x1a: {  	[tilespmem:s3], [sflag:$0x3] =	stream.linear.gather [hbm4b:s7+s3], $0x1400, $0x38;
	[tilespmem:$0x1E800] =	vst v63  }
0x1b: {  	_ =	swait.ge [sflag:s14], $0x1400  }
0x1c: {  	[sflag:s14] =	ssyncset.done $0x0  }
0x1d: {  	[sflag:s14] =	ssyncadd.s32 $0xFFFFEC00  }
0x1e: {  	[tilespmem:s15], [sflag:$0x3] =	stream.linear.gather [hbm4b:s8+s3], $0x1400, $0x38;
	[tilespmem:$0x1E800] =	vst v63  }
0x1f: {  	_ =	swait.ge [sflag:s14], $0x1400  }
0x20: {  	[sflag:s14] =	ssyncset.done $0x0  }
0x21: {  	[sflag:s14] =	ssyncadd.s32 $0xFFFFEC00  }
0x22: {  	[tilespmem:s17], [sflag:$0x1] =	stream.indirect.gather [hbm4b:s4+s16], $0x80, s3, s16, $0xb8;
	[tilespmem:$0x1E800] =	vst v63  }
0x23: {  	s25 =	simm.s32 $0x80  }
0x24: {  	[tilespmem:s18], [sflag:$0x2] =	stream.indirect.gather [hbm4b:s4+s16], $0x80, s25, s16, $0xb8;
	[tilespmem:$0x1E800] =	vst v63  }
0x25: {  	_ =	swait.ge [sflag:s19], $0x4000  }
0x26: {  	[sflag:s19] =	ssyncset.done $0x0  }
0x27: {  	s29 =	simm.s32 $0x1400;
	[sflag:s19] =	ssyncadd.s32 $0xFFFFC000  }
0x28: {  	[spmem:s2] =	stream.indirect.scatter.add.f32 [tilespmem:s17], [sflag:$0x3], $0x80, s29, s16, $0xb8;
	[tilespmem:$0x1E800] =	vst v63  }
0x29: {  	_ =	swait.ge [sflag:s14], $0x4000  }
0x2a: {  	[sflag:s14] =	ssyncset.done $0x0  }
0x2b: {  	s30 =	simm.s32 $0x100;
	[sflag:s14] =	ssyncadd.s32 $0xFFFFC000  }
0x2c: {  	[tilespmem:s17], [sflag:$0x1] =	stream.indirect.gather [hbm4b:s4+s16], $0x80, s30, s16, $0xb8;
	[tilespmem:$0x1E800] =	vst v63  }
0x2d: {  	_ =	swait.ge [sflag:s20], $0x4000  }
0x2e: {  	[sflag:s20] =	ssyncset.done $0x0  }
0x2f: {  	s31 =	simm.s32 $0x1480;
	[sflag:s20] =	ssyncadd.s32 $0xFFFFC000  }
0x30: {  	[spmem:s2] =	stream.indirect.scatter.add.f32 [tilespmem:s18], [sflag:$0x3], $0x80, s31, s16, $0xb8;
	[tilespmem:$0x1E800] =	vst v63  }
0x31: {  	_ =	swait.ge [sflag:s14], $0x4000  }
0x32: {  	s26 =	simm.s32 $0x800;
	s25 =	simm.s32 $0x100;
	[sflag:s14] =	ssyncset.done $0x0  }
.LBB2_2:
0x33: {  	s28 =	sadd.s32 $0x80, s25  }
0x34: {  	[sflag:s14] =	ssyncadd.s32 $0xFFFFC000;
	s29 =	smov.u32 s26;
	s30 =	sadd.s32 $0x400, s26  }
0x35: {  	[tilespmem:s18], [sflag:$0x2] =	stream.indirect.gather [hbm4b:s4+s16], $0x80, s28, s16, $0xb8;
	[tilespmem:$0x1E800] =	vst v63  }
0x36: {  	p0 =	sne.s32 s26, $0x4800;
	_ =	swait.ge [sflag:s19], $0x4000  }
0x37: {  	[sflag:s19] =	ssyncset.done $0x0  }
0x38: {  	s26 =	sadd.s32 $0x1400, s25;
	[sflag:s19] =	ssyncadd.s32 $0xFFFFC000  }
0x39: {  	[spmem:s2] =	stream.indirect.scatter.add.f32 [tilespmem:s17], [sflag:$0x3], $0x80, s26, s16, $0xb8;
	[tilespmem:$0x1E800] =	vst v63  }
0x3a: {  	_ =	swait.ge [sflag:s14], $0x4000  }
0x3b: {  	[sflag:s14] =	ssyncset.done $0x0  }
0x3c: {  	s26 =	sadd.s32 $0x100, s25;
	[sflag:s14] =	ssyncadd.s32 $0xFFFFC000  }
0x3d: {  	[tilespmem:s17], [sflag:$0x1] =	stream.indirect.gather [hbm4b:s4+s16], $0x80, s26, s16, $0xb8;
	[tilespmem:$0x1E800] =	vst v63  }
0x3e: {  	_ =	swait.ge [sflag:s20], $0x4000  }
.Ltmp0:
0x3f: {  	[sflag:s20] =	ssyncset.done $0x0;
	(pc) =	sbr.rel @p0 .LBB2_2-.Ltmp0, $4  }
0x40: {  	s25 =	sadd.s32 $0x1480, s25;
	[sflag:s20] =	ssyncadd.s32 $0xFFFFC000  }
0x41: {  	[spmem:s2] =	stream.indirect.scatter.add.f32 [tilespmem:s18], [sflag:$0x3], $0x80, s25, s16, $0xb8;
	[tilespmem:$0x1E800] =	vst v63  }
0x42: {  	_ =	swait.ge [sflag:s14], $0x4000  }
0x43: {  	s26 =	smov.u32 s30;
	s25 =	sshra.s32 s29, $0x2;
	[sflag:s14] =	ssyncset.done $0x0  }
0x44: {  	s26 =	sadd.s32 $0x80, s25;
	[sflag:s14] =	ssyncadd.s32 $0xFFFFC000  }
0x45: {  	[tilespmem:s18], [sflag:$0x2] =	stream.indirect.gather [hbm4b:s4+s16], $0x80, s26, s16, $0xb8;
	[tilespmem:$0x1E800] =	vst v63  }
0x46: {  	_ =	swait.ge [sflag:s19], $0x4000  }
0x47: {  	[sflag:s19] =	ssyncset.done $0x0  }
0x48: {  	s29 =	sadd.s32 $0x1400, s25;
	[sflag:s19] =	ssyncadd.s32 $0xFFFFC000  }
0x49: {  	[spmem:s2] =	stream.indirect.scatter.add.f32 [tilespmem:s17], [sflag:$0x3], $0x80, s29, s16, $0xb8;
	[tilespmem:$0x1E800] =	vst v63  }
0x4a: {  	_ =	swait.ge [sflag:s14], $0x4000  }
0x4b: {  	[sflag:s14] =	ssyncset.done $0x0  }
0x4c: {  	s30 =	sadd.s32 $0x100, s25;
	[sflag:s14] =	ssyncadd.s32 $0xFFFFC000  }
0x4d: {  	[tilespmem:s17], [sflag:$0x1] =	stream.indirect.gather [hbm4b:s4+s16], $0x80, s30, s16, $0xb8;
	[tilespmem:$0x1E800] =	vst v63  }
0x4e: {  	_ =	swait.ge [sflag:s20], $0x4000  }
0x4f: {  	[sflag:s20] =	ssyncset.done $0x0  }
0x50: {  	s31 =	sadd.s32 $0x1480, s25;
	[sflag:s20] =	ssyncadd.s32 $0xFFFFC000  }
0x51: {  	[spmem:s2] =	stream.indirect.scatter.add.f32 [tilespmem:s18], [sflag:$0x3], $0x80, s31, s16, $0xb8;
	[tilespmem:$0x1E800] =	vst v63  }
0x52: {  	_ =	swait.ge [sflag:s14], $0x4000  }
0x53: {  	[sflag:s14] =	ssyncset.done $0x0  }
0x54: {  	[sflag:s14] =	ssyncadd.s32 $0xFFFFC000  }
0x55: {  	[tilespmem:s18], [sflag:$0x2] =	stream.indirect.gather [hbm4b:s4+s16], $0x80, s21, s16, $0xb8;
	[tilespmem:$0x1E800] =	vst v63  }
0x56: {  	_ =	swait.ge [sflag:s19], $0x4000  }
0x57: {  	[sflag:s19] =	ssyncset.done $0x0  }
0x58: {  	[sflag:s19] =	ssyncadd.s32 $0xFFFFC000  }
0x59: {  	[spmem:s2] =	stream.indirect.scatter.add.f32 [tilespmem:s17], [sflag:$0x3], $0x80, s22, s16, $0xb8;
	[tilespmem:$0x1E800] =	vst v63  }
0x5a: {  	_ =	swait.ge [sflag:s14], $0x4000  }
0x5b: {  	[sflag:s14] =	ssyncset.done $0x0  }
0x5c: {  	[sflag:s14] =	ssyncadd.s32 $0xFFFFC000  }
0x5d: {  	_ =	swait.ge [sflag:s20], $0x4000  }
0x5e: {  	[sflag:s20] =	ssyncset.done $0x0  }
0x5f: {  	[sflag:s20] =	ssyncadd.s32 $0xFFFFC000  }
0x60: {  	[spmem:s2] =	stream.indirect.scatter.add.f32 [tilespmem:s18], [sflag:$0x3], $0x80, s23, s16, $0xb8;
	[tilespmem:$0x1E800] =	vst v63  }
0x61: {  	_ =	swait.ge [sflag:s14], $0x4000  }
0x62: {  	[sflag:s14] =	ssyncset.done $0x0  }
0x63: {  	s26 =	simm.s32 $0x0;
	[sflag:s14] =	ssyncadd.s32 $0xFFFFC000  }
0x64: {  	[tilespmem:s26], [sflag:$0x3] =	stream.linear.gather [hbm4b:s9+s26], $0x1400, $0x38;
	[tilespmem:$0x1E800] =	vst v63  }
0x65: {  	_ =	swait.ge [sflag:s14], $0x1400  }
0x66: {  	[sflag:s14] =	ssyncset.done $0x0  }
0x67: {  	[sflag:s14] =	ssyncadd.s32 $0xFFFFEC00  }
0x68: {  	[tilespmem:s15], [sflag:$0x3] =	stream.linear.gather [hbm4b:s10+s26], $0x1400, $0x38;
	[tilespmem:$0x1E800] =	vst v63  }
0x69: {  	_ =	swait.ge [sflag:s14], $0x1400  }
0x6a: {  	[sflag:s14] =	ssyncset.done $0x0  }
0x6b: {  	[sflag:s14] =	ssyncadd.s32 $0xFFFFEC00  }
0x6c: {  	[tilespmem:s17], [sflag:$0x1] =	stream.indirect.gather [hbm4b:s4+s16], $0x80, s26, s16, $0xb8;
	[tilespmem:$0x1E800] =	vst v63  }
0x6d: {  	s28 =	simm.s32 $0x80  }
0x6e: {  	[tilespmem:s18], [sflag:$0x2] =	stream.indirect.gather [hbm4b:s4+s16], $0x80, s28, s16, $0xb8;
	[tilespmem:$0x1E800] =	vst v63  }
0x6f: {  	_ =	swait.ge [sflag:s19], $0x4000  }
0x70: {  	[sflag:s19] =	ssyncset.done $0x0  }
0x71: {  	s29 =	simm.s32 $0x1400;
	[sflag:s19] =	ssyncadd.s32 $0xFFFFC000  }
0x72: {  	[spmem:s2] =	stream.indirect.scatter.add.f32 [tilespmem:s17], [sflag:$0x3], $0x80, s29, s16, $0xb8;
	[tilespmem:$0x1E800] =	vst v63  }
0x73: {  	_ =	swait.ge [sflag:s14], $0x4000  }
0x74: {  	[sflag:s14] =	ssyncset.done $0x0  }
0x75: {  	s30 =	simm.s32 $0x100;
	[sflag:s14] =	ssyncadd.s32 $0xFFFFC000  }
0x76: {  	[tilespmem:s17], [sflag:$0x1] =	stream.indirect.gather [hbm4b:s4+s16], $0x80, s30, s16, $0xb8;
	[tilespmem:$0x1E800] =	vst v63  }
0x77: {  	_ =	swait.ge [sflag:s20], $0x4000  }
0x78: {  	[sflag:s20] =	ssyncset.done $0x0  }
0x79: {  	s31 =	simm.s32 $0x1480;
	[sflag:s20] =	ssyncadd.s32 $0xFFFFC000  }
0x7a: {  	[spmem:s2] =	stream.indirect.scatter.add.f32 [tilespmem:s18], [sflag:$0x3], $0x80, s31, s16, $0xb8;
	[tilespmem:$0x1E800] =	vst v63  }
0x7b: {  	_ =	swait.ge [sflag:s14], $0x4000  }
0x7c: {  	s25 =	simm.s32 $0x100;
	s26 =	simm.s32 $0x800;
	[sflag:s14] =	ssyncset.done $0x0  }
.LBB2_4:
0x7d: {  	s28 =	sadd.s32 $0x80, s25  }
0x7e: {  	[sflag:s14] =	ssyncadd.s32 $0xFFFFC000;
	s29 =	smov.u32 s26;
	s30 =	sadd.s32 $0x400, s26  }
0x7f: {  	[tilespmem:s18], [sflag:$0x2] =	stream.indirect.gather [hbm4b:s4+s16], $0x80, s28, s16, $0xb8;
	[tilespmem:$0x1E800] =	vst v63  }
0x80: {  	p0 =	sne.s32 s26, $0x4800;
	_ =	swait.ge [sflag:s19], $0x4000  }
0x81: {  	[sflag:s19] =	ssyncset.done $0x0  }
0x82: {  	s26 =	sadd.s32 $0x1400, s25;
	[sflag:s19] =	ssyncadd.s32 $0xFFFFC000  }
0x83: {  	[spmem:s2] =	stream.indirect.scatter.add.f32 [tilespmem:s17], [sflag:$0x3], $0x80, s26, s16, $0xb8;
	[tilespmem:$0x1E800] =	vst v63  }
0x84: {  	_ =	swait.ge [sflag:s14], $0x4000  }
0x85: {  	[sflag:s14] =	ssyncset.done $0x0  }
0x86: {  	s26 =	sadd.s32 $0x100, s25;
	[sflag:s14] =	ssyncadd.s32 $0xFFFFC000  }
0x87: {  	[tilespmem:s17], [sflag:$0x1] =	stream.indirect.gather [hbm4b:s4+s16], $0x80, s26, s16, $0xb8;
	[tilespmem:$0x1E800] =	vst v63  }
0x88: {  	_ =	swait.ge [sflag:s20], $0x4000  }
.Ltmp1:
0x89: {  	[sflag:s20] =	ssyncset.done $0x0;
	(pc) =	sbr.rel @p0 .LBB2_4-.Ltmp1, $4  }
0x8a: {  	s25 =	sadd.s32 $0x1480, s25;
	[sflag:s20] =	ssyncadd.s32 $0xFFFFC000  }
0x8b: {  	[spmem:s2] =	stream.indirect.scatter.add.f32 [tilespmem:s18], [sflag:$0x3], $0x80, s25, s16, $0xb8;
	[tilespmem:$0x1E800] =	vst v63  }
0x8c: {  	_ =	swait.ge [sflag:s14], $0x4000  }
0x8d: {  	s26 =	smov.u32 s30;
	s25 =	sshra.s32 s29, $0x2;
	[sflag:s14] =	ssyncset.done $0x0  }
0x8e: {  	s26 =	sadd.s32 $0x80, s25;
	[sflag:s14] =	ssyncadd.s32 $0xFFFFC000  }
0x8f: {  	[tilespmem:s18], [sflag:$0x2] =	stream.indirect.gather [hbm4b:s4+s16], $0x80, s26, s16, $0xb8;
	[tilespmem:$0x1E800] =	vst v63  }
0x90: {  	_ =	swait.ge [sflag:s19], $0x4000  }
0x91: {  	[sflag:s19] =	ssyncset.done $0x0  }
0x92: {  	s29 =	sadd.s32 $0x1400, s25;
	[sflag:s19] =	ssyncadd.s32 $0xFFFFC000  }
0x93: {  	[spmem:s2] =	stream.indirect.scatter.add.f32 [tilespmem:s17], [sflag:$0x3], $0x80, s29, s16, $0xb8;
	[tilespmem:$0x1E800] =	vst v63  }
0x94: {  	_ =	swait.ge [sflag:s14], $0x4000  }
0x95: {  	[sflag:s14] =	ssyncset.done $0x0  }
0x96: {  	s30 =	sadd.s32 $0x100, s25;
	[sflag:s14] =	ssyncadd.s32 $0xFFFFC000  }
0x97: {  	[tilespmem:s17], [sflag:$0x1] =	stream.indirect.gather [hbm4b:s4+s16], $0x80, s30, s16, $0xb8;
	[tilespmem:$0x1E800] =	vst v63  }
0x98: {  	_ =	swait.ge [sflag:s20], $0x4000  }
0x99: {  	[sflag:s20] =	ssyncset.done $0x0  }
0x9a: {  	s31 =	sadd.s32 $0x1480, s25;
	[sflag:s20] =	ssyncadd.s32 $0xFFFFC000  }
0x9b: {  	[spmem:s2] =	stream.indirect.scatter.add.f32 [tilespmem:s18], [sflag:$0x3], $0x80, s31, s16, $0xb8;
	[tilespmem:$0x1E800] =	vst v63  }
0x9c: {  	_ =	swait.ge [sflag:s14], $0x4000  }
0x9d: {  	[sflag:s14] =	ssyncset.done $0x0  }
0x9e: {  	[sflag:s14] =	ssyncadd.s32 $0xFFFFC000  }
0x9f: {  	[tilespmem:s18], [sflag:$0x2] =	stream.indirect.gather [hbm4b:s4+s16], $0x80, s21, s16, $0xb8;
	[tilespmem:$0x1E800] =	vst v63  }
0xa0: {  	_ =	swait.ge [sflag:s19], $0x4000  }
0xa1: {  	[sflag:s19] =	ssyncset.done $0x0  }
0xa2: {  	[sflag:s19] =	ssyncadd.s32 $0xFFFFC000  }
0xa3: {  	[spmem:s2] =	stream.indirect.scatter.add.f32 [tilespmem:s17], [sflag:$0x3], $0x80, s22, s16, $0xb8;
	[tilespmem:$0x1E800] =	vst v63  }
0xa4: {  	_ =	swait.ge [sflag:s14], $0x4000  }
0xa5: {  	[sflag:s14] =	ssyncset.done $0x0  }
0xa6: {  	[sflag:s14] =	ssyncadd.s32 $0xFFFFC000  }
0xa7: {  	_ =	swait.ge [sflag:s20], $0x4000  }
0xa8: {  	[sflag:s20] =	ssyncset.done $0x0  }
0xa9: {  	[sflag:s20] =	ssyncadd.s32 $0xFFFFC000  }
0xaa: {  	[spmem:s2] =	stream.indirect.scatter.add.f32 [tilespmem:s18], [sflag:$0x3], $0x80, s23, s16, $0xb8;
	[tilespmem:$0x1E800] =	vst v63  }
0xab: {  	_ =	swait.ge [sflag:s14], $0x4000  }
0xac: {  	s24 =	sadd.s32 $0x1, s24;
	[sflag:s14] =	ssyncset.done $0x0  }
0xad: {  	p0 =	sne.s32 s24, s12;
	[sflag:s14] =	ssyncadd.s32 $0xFFFFC000  }
.Ltmp2:
0xae: {  	[bflag:$0x0] =	sbarrier.arrive $0xFFFF;
	(pc) =	sbr.rel @p0 .LBB2_1-.Ltmp2, $4  }
0xaf: {  	[hbm:s11], [sflag:s6] =	dma.local [spmem:s13], $0x2800  }
0xb0: {  	_ =	swait.ge [sflag:s14], $0x2800  }
0xb1: {  	[sflag:s14] =	ssyncset.done $0x0  }
0xb2: {  	[sflag:s14] =	ssyncadd.s32 $0xFFFFD800  }
0xb3: {  	_ =	sfence.sel $0x180000  }
0xb4: {  	[bflag:$0x0] =	sbarrier.arrive $0xFFFF  }
0xb5: {  	p0 =	sne.s32 s1, $0x0;
	_ =	strace $0x9000004D  }
0xb6: {  	s0 =	sadd.s32 @!p0 $0x100000, s0;
	[bflag:$0x2] =	sbarrier.arrive $0xFFFF  }
0xb7: {  	[sflag:s0] =	ssyncadd.tile.s32 @!p0 $0x1;
	_ =	shalt  }
.Lfunc_end2:
_tile_overlayer_lowered:
.L_overlay_start_2:
0xb8: {  	(tag) =	ssettag $0x2  }
0xb9: {  	s0 =	rddreg [dreg:$0x0];
	s2 =	stileid.u32  }
0xba: {  	s1 =	rddreg [dreg:$0x1];
	p0 =	sne.s32 s2, $0x0  }
0xbb: {  	s3 =	rddreg [dreg:$0x2];
	[bflag:$0x3] =	sbarrier.arrive $0xFFFF;
	s2 =	simm.s32 @!p0 $0x1C03  }
0xbc: {  	[timem:s3], [sflag:s2] =	dma.local @!p0 [hbm:s0], s1  }
0xbd: {  	s0 =	simm.s32 @!p0 $0x3  }
0xbe: {  	_ =	swait.ge @!p0 [sflag:s0], s1  }
0xbf: {  	s1 =	ssub.s32 @!p0 $0x0, s1;
	[sflag:s0] =	ssyncset.done @!p0 $0x0  }
0xc0: {  	[sflag:s0] =	ssyncadd.s32 @!p0 s1  }
0xc1: {  	[bflag:$0x3] =	sbarrier.arrive $0xFFFF  }
0xc2: {  	_ =	shalt  }

// kernel: kernel.8.cloned.1.call-start
scs
__scs_entry_jumppad:
0x0: {  	(pc) =	sbr.rel $0x88, $3  }
0x1: {  	(tag) =	ssettag $0x0;
	lr =	simm.s32 $0x1  }
0x2: {  	[smem:$0x3F98] =	sst lr;
	_ =	strace $0xD0000000  }
0x3: {  	_ = 	snop  }
0x4: {  	_ = 	snop  }
0x5: {  	_ = 	snop  }
0x6: {  	_ = 	snop  }
0x7: {  	_ = 	snop  }
__scs_overlays_trampoline_lowered:
0x8: {  	[smem:$0x3FA7] =	sst s0  }
0x9: {  	[smem:$0x3FA8] =	sst s1  }
0xa: {  	[smem:$0x3FA9] =	sst s2  }
0xb: {  	[smem:$0x3FAA] =	sst s3  }
0xc: {  	[smem:$0x3FAB] =	sst s4  }
0xd: {  	[smem:$0x3FAC] =	sst s5  }
0xe: {  	[smem:$0x3FAD] =	sst s6  }
0xf: {  	[smem:$0x3FAE] =	sst s7  }
0x10: {  	[smem:$0x3FAF] =	sst s8  }
0x11: {  	[smem:$0x3FB0] =	sst s9;
	s0 =	simm.s32 @!p0 $0x0  }
0x12: {  	s1 =	sld [smem:$0x3F96];
	s0 =	simm.s32 @p0 $0x1  }
0x13: {  	[smem:$0x3FB1] =	sst s0;
	s0 =	simm.s32 @!p1 $0x0  }
0x14: {  	s2 =	sld [smem:$0x3F95];
	s0 =	simm.s32 @p1 $0x1  }
0x15: {  	[smem:$0x3FB2] =	sst s0;
	s0 =	simm.s32 @!p2 $0x0  }
0x16: {  	s3 =	sld [smem:$0x3FDB];
	s0 =	simm.s32 @p2 $0x1  }
0x17: {  	s4 =	simm.s32 $0x1BF5;
	[smem:$0x3FB4] =	sst s0  }
0x18: {  	s0 =	sld [smem:$0x3F97];
	_ =	swait.ge [sflag:s4], $0x0  }
0x19: {  	s7 =	sld [smem:$0x3F98]  }
0x1a: {  	s8 =	sadd.s32 $0xFFFFE003, lr  }
0x1b: {  	s9 =	sadd.s32 $0xFFFFFEF7, lr;
	s5 =	simm.s32 $0xFFFFFFFF;
	p2 =	slt.u32 s8, $0xFFFFF086  }
0x1c: {  	p1 =	slt.u32 s9, $0xF7A;
	s5 =	simm.s32 @!p2 $0x0  }
0x1d: {  	s5 =	simm.s32 @p1 $0x1;
	p0 =	seq.s32 s7, s2  }
0x1e: {  	s7 =	smul.u32 @!p0 $0xF7A, s2;
	p2 =	seq.s32 @!p0 s5, $0x0  }
0x1f: {  	s9 =	smul.u32 $0xF7A, s1;
	s8 =	simm.s32 @!p0 $0x1BF5;
	p2 =	por !p2, p0  }
0x20: {  	[sflag:s8] =	ssyncset.s32 @!p0 $0xFFFFF086;
	s6 =	sadd.s32 @!p0 s3, s7;
	s7 =	simm.s32 @!p0 $0x108  }
0x21: {  	s3 =	sadd.s32 s3, s9;
	s6 =	sadd.s32 @!p0 $0x88, s6;
	s7 =	simm.s32 @p2 $0x1082  }
0x22: {  	[simem:s7], [sflag:s8] =	dma.local @!p0 [hbm:s6], $0xF7A  }
0x23: {  	s9 =	sor.u32 $0xD0000000, s2;
	s6 =	simm.s32 $0x108;
	_ =	swait.ge @!p0 [sflag:s8], $0x0  }
0x24: {  	s3 =	sadd.s32 $0x88, s3;
	s6 =	simm.s32 @!p1 $0x1082;
	[sflag:s4] =	ssyncset.s32 $0xFFFFF086  }
0x25: {  	[simem:s6], [sflag:s4] =	dma.local [hbm:s3], $0xF7A  }
0x26: {  	[smem:$0x3F98] =	sst s1;
	(tag) =	ssettag s2;
	_ =	strace s9  }
0x27: {  	s1 =	sld [smem:$0x3FA8]  }
0x28: {  	s2 =	sld [smem:$0x3FA9]  }
0x29: {  	s4 =	sld [smem:$0x3FAB]  }
0x2a: {  	p0 =	seq.s32 s5, $0x0;
	s5 =	sld [smem:$0x3FAC]  }
0x2b: {  	s6 =	sld [smem:$0x3FAD]  }
0x2c: {  	s7 =	sld [smem:$0x3FAE]  }
0x2d: {  	s3 =	simm.s32 $0x108;
	s8 =	sld [smem:$0x3FAF]  }
0x2e: {  	s3 =	simm.s32 @!p0 $0x1082;
	s9 =	sld [smem:$0x3FB0]  }
0x2f: {  	lr =	sadd.s32 s0, s3;
	s0 =	sld [smem:$0x3FA7]  }
0x30: {  	s3 =	sld [smem:$0x3FAA]  }
0x31: {  	[smem:$0x3FB3] =	sst s10  }
0x32: {  	s10 =	sld [smem:$0x3FB1];
	_ =	sdelay $0x3  }
0x33: {  	p0 =	seq.s32 s10, $0x1;
	s10 =	sld [smem:$0x3FB3];
	_ =	sdelay $0x3  }
0x34: {  	[smem:$0x3FB3] =	sst s10  }
0x35: {  	s10 =	sld [smem:$0x3FB2];
	_ =	sdelay $0x3  }
0x36: {  	p1 =	seq.s32 s10, $0x1;
	s10 =	sld [smem:$0x3FB3];
	_ =	sdelay $0x3  }
0x37: {  	[smem:$0x3FB3] =	sst s10  }
0x38: {  	s10 =	sld [smem:$0x3FB4]  }
0x39: {  	_ = 	snop;
	(pc) =	sbr.ind lr, $3  }
0x3a: {  	_ = 	snop  }
0x3b: {  	_ = 	snop  }
0x3c: {  	p2 =	seq.s32 s10, $0x1;
	s10 =	sld [smem:$0x3FB3]  }
0x3d: {  	_ =	shalt  }
0x3e: {  	_ =	shalt  }
0x3f: {  	_ =	shalt  }
0x40: {  	_ =	shalt  }
0x41: {  	_ =	shalt  }
0x42: {  	_ =	shalt  }
0x43: {  	_ =	shalt  }
0x44: {  	_ =	shalt  }
0x45: {  	_ =	shalt  }
0x46: {  	_ =	shalt  }
0x47: {  	_ =	shalt  }
0x48: {  	_ =	shalt  }
0x49: {  	_ =	shalt  }
0x4a: {  	_ =	shalt  }
0x4b: {  	_ =	shalt  }
0x4c: {  	_ =	shalt  }
0x4d: {  	_ =	shalt  }
0x4e: {  	_ =	shalt  }
0x4f: {  	_ =	shalt  }
0x50: {  	_ =	shalt  }
0x51: {  	_ =	shalt  }
0x52: {  	_ =	shalt  }
0x53: {  	_ =	shalt  }
0x54: {  	_ =	shalt  }
0x55: {  	_ =	shalt  }
0x56: {  	_ =	shalt  }
0x57: {  	_ =	shalt  }
0x58: {  	_ =	shalt  }
0x59: {  	_ =	shalt  }
0x5a: {  	_ =	shalt  }
0x5b: {  	_ =	shalt  }
0x5c: {  	_ =	shalt  }
0x5d: {  	_ =	shalt  }
0x5e: {  	_ =	shalt  }
0x5f: {  	_ =	shalt  }
0x60: {  	_ =	shalt  }
0x61: {  	_ =	shalt  }
0x62: {  	_ =	shalt  }
0x63: {  	_ =	shalt  }
0x64: {  	_ =	shalt  }
0x65: {  	_ =	shalt  }
0x66: {  	_ =	shalt  }
0x67: {  	_ =	shalt  }
0x68: {  	_ =	shalt  }
0x69: {  	_ =	shalt  }
0x6a: {  	_ =	shalt  }
0x6b: {  	_ =	shalt  }
0x6c: {  	_ =	shalt  }
0x6d: {  	_ =	shalt  }
0x6e: {  	_ =	shalt  }
0x6f: {  	_ =	shalt  }
0x70: {  	_ =	shalt  }
0x71: {  	_ =	shalt  }
0x72: {  	_ =	shalt  }
0x73: {  	_ =	shalt  }
0x74: {  	_ =	shalt  }
0x75: {  	_ =	shalt  }
0x76: {  	_ =	shalt  }
0x77: {  	_ =	shalt  }
0x78: {  	_ =	shalt  }
0x79: {  	_ =	shalt  }
0x7a: {  	_ =	shalt  }
0x7b: {  	_ =	shalt  }
0x7c: {  	_ =	shalt  }
0x7d: {  	_ =	shalt  }
0x7e: {  	_ =	shalt  }
0x7f: {  	_ =	shalt  }
0x80: {  	_ =	shalt  }
0x81: {  	_ =	shalt  }
0x82: {  	_ =	shalt  }
0x83: {  	_ =	shalt  }
0x84: {  	_ =	shalt  }
0x85: {  	_ =	shalt  }
0x86: {  	_ =	shalt  }
0x87: {  	_ =	shalt  }
.Lfunc_end0:
.L_simem_size_0:
called_computation_lowered:
.L_overlay_start_0:
0x88: {  	s2 =	sld [smem:$0x3FD9]  }
0x89: {  	s3 =	sld [smem:$0x3FFE];
	_ =	sdelay $0x1  }
0x8a: {  	s1 =	srdreg.scid  }
0x8b: {  	s0 =	sand.u32 $0x1, s1  }
0x8c: {  	s14 =	sshll.u32 s0, $0xA;
	s2 =	sadd.s32 s3, s2  }
0x8d: {  	s2 =	sadd.s32 s2, s14  }
0x8e: {  	[smem:$0x3FBF] =	sst s2  }
0x8f: {  	_ = 	snop  }
0x90: {  	s2 =	sld [smem:$0x3FD0];
	_ =	sdelay $0x2  }
0x91: {  	s15 =	simm.s32 $0xA;
	s4 =	simm.s32 $0x10  }
0x92: {  	[smem:s4], [sflag:s15] =	dma.local [hbm:s2], $0x1  }
0x93: {  	_ =	swait.eq [sflag:s15], $0x1  }
0x94: {  	[sflag:s15] =	ssyncset.done $0x0  }
0x95: {  	[sflag:s15] =	ssyncadd.s32 $0xFFFFFFFF  }
0x96: {  	s16 =	sld [smem:$0x11];
	(tm) =	ssettm $0x1  }
0x97: {  	s17 =	sld [smem:$0x3FFB];
	_ =	sdelay $0x3  }
0x98: {  	_ =	strace s17  }
0x99: {  	s3 =	sld [smem:$0x3FFC];
	_ =	sdelay $0x3  }
0x9a: {  	_ =	strace s3  }
0x9b: {  	s3 =	sld [smem:$0x3FFD];
	_ =	sdelay $0x3  }
0x9c: {  	_ =	strace s3  }
0x9d: {  	_ =	strace $0x8FFFFFFF  }
0x9e: {  	s18 =	sld [smem:$0x3FDB];
	_ =	sdelay $0x1  }
0x9f: {  	s19 =	simm.s32 $_scs_section_size  }
0xa0: {  	s5 =	simm.s32 $_size__tile_overlayer_lowered;
	s6 =	simm.s32 $_tile_overlayer_lowered  }
0xa1: {  	s22 =	simm.s32 $0x1BFF;
	s21 =	sshll.u32 s6, $0x1;
	s3 =	sadd.s32 s19, s18  }
0xa2: {  	s7 =	simm.s32 $0x0;
	s20 =	sshll.u32 s5, $0x1;
	s5 =	sadd.s32 s21, s3  }
0xa3: {  	[timem:s7], [sflag:s22] =	dma.local [hbm:s5], s20  }
0xa4: {  	_ =	swait.ge [sflag:s22], s20  }
0xa5: {  	s4 =	ssub.s32 $0x0, s20;
	[sflag:s22] =	ssyncset.done $0x0  }
0xa6: {  	[sflag:s22] =	ssyncadd.s32 s4;
	_ =	sdelay $0x1  }
0xa7: {  	s23 =	simm.s32 $0x1B8B  }
0xa8: {  	_ =	swait.ge [sflag:s23], $0x1  }
0xa9: {  	[sflag:s23] =	ssyncset.done $0x0  }
0xaa: {  	s25 =	simm.s32 $0x1B8E;
	s24 =	sld [smem:$0x3FFE];
	[sflag:s23] =	ssyncadd.s32 $0xFFFFFFFF  }
0xab: {  	s26 =	simm.s32 $execute0_lowered;
	[smem:$0x3FD2] =	sst s25  }
0xac: {  	s5 =	sshll.u32 s26, $0x1;
	_ =	strace $0x80000046;
	[dreg:$0x1] =	wrdreg $0xFFFFFFFF  }
0xad: {  	s28 =	simm.s32 $_size_execute0_lowered;
	s3 =	sadd.s32 s3, s5;
	[dreg:$0x0] =	wrdreg $0x0  }
0xae: {  	s5 =	sshll.u32 s28, $0x1;
	[dreg:$0x2] =	wrdreg s3  }
0xaf: {  	[dreg:$0x3] =	wrdreg s5  }
0xb0: {  	[dreg:$0x4] =	wrdreg $0xC0  }
0xb1: {  	_ =	task [dreg:s7], $0x5FFFF  }
0xb2: {  	[dreg:$0x1] =	wrdreg $0xFFFFFFFF  }
0xb3: {  	[dreg:$0x0] =	wrdreg $0x60  }
0xb4: {  	[dreg:$0x2] =	wrdreg s16  }
0xb5: {  	[dreg:$0x3] =	wrdreg s24  }
0xb6: {  	[dreg:$0x4] =	wrdreg $0x54000  }
0xb7: {  	[dreg:$0x5] =	wrdreg $0x9  }
0xb8: {  	_ =	task.clear_ibuf [dreg:s7], $0x6FFFF;
	_ =	strace $0x90000046  }
0xb9: {  	s29 =	simm.s32 $0x9;
	_ =	strace $0x80000048  }
0xba: {  	_ =	swait.ge [sflag:s29], $0x1  }
0xbb: {  	[sflag:s29] =	ssyncadd.s32 $0xFFFFFFFF  }
0xbc: {  	_ =	strace $0x90000048  }
0xbd: {  	_ =	sfence  }
0xbe: {  	s30 =	sld [smem:$0x0];
	_ =	sdelay $0x2  }
0xbf: {  	s31 =	sshll.u32 s1, $0xD;
	s1 =	sshrl.u32 s1, $0x2  }
0xc0: {  	s3 =	sand.u32 $0x4000, s31;
	s1 =	sadd.s32 s1, s30  }
0xc1: {  	s0 =	sor.u32 s3, s0;
	s1 =	sshll.u32 s1, $0x11  }
0xc2: {  	s0 =	sor.u32 s1, s0  }
0xc3: {  	s0 =	sadd.s32 $0x8F2B, s0  }
0xc4: {  	[sflag:s0] =	ssyncadd.remote.s32 $0x1  }
0xc5: {  	_ =	sfence.sel $0xFFFF  }
0xc6: {  	[dreg:$0x0] =	wrdreg $0xFFFFFFFF;
	(pc) =	sbr.abs _section_cstart, $3  }
0xc7: {  	[dreg:$0x1] =	wrdreg $0xFFFFFFFF  }
0xc8: {  	_ =	task.clear_ibuf [dreg:s7], $0x2FFFF;
	_ =	strace $0x9FFFFFFF  }
0xc9: {  	(tm) =	ssettm $0x7FFFFFFF  }
tec
execute0_lowered:
.L_overlay_start_1:
0x0: {  	(tag) =	ssettag $0x1  }
0x1: {  	s7 =	rddreg [dreg:$0x0]  }
0x2: {  	s5 =	rddreg [dreg:$0x1]  }
0x3: {  	s2 =	rddreg [dreg:$0x2]  }
0x4: {  	s0 =	rddreg [dreg:$0x3];
	s3 =	simm.s32 $0x0  }
0x5: {  	s1 =	stileid.u32;
	s4 =	srdreg.scid;
	s15 =	simm.s32 $0x0  }
0x6: {  	[smem:$0x7FF] =	sst s3;
	s6 =	smul.u32 $0x2800, s1;
	s8 =	sand.u32 $0x1, s4  }
0x7: {  	s4 =	sadd.s32 $0x2B000, s5;
	s11 =	smul.u32 $0x50000, s1;
	s13 =	sshll.u32 s1, $0x1  }
0x8: {  	s28 =	sshll.u32 s1, $0x6;
	_ =	strace $0x80000047;
	s10 =	smul.u32 $0x28000, s8  }
0x9: {  	s12 =	sshll.u32 s8, $0x5;
	s8 =	ssub.s32 $0x2, s8;
	s9 =	sadd.s32 s6, s5  }
0xa: {  	s25 =	sor.u32 s13, s12;
	s26 =	sshrl.u32 s8, $0x1;
	s11 =	sshrl.u32 s11, $0x2  }
0xb: {  	s6 =	sadd.s32 s6, s10;
	s13 =	smul.u32 $0x1400, s25;
	s12 =	ssub.s32 s8, s26  }
0xc: {  	s11 =	sadd.s32 s11, s2;
	s29 =	smul.u32 $0x280, s25;
	s14 =	sadd.s32 s6, s5  }
0xd: {  	s5 =	sadd.s32 $0x3000, s9;
	s6 =	sor.u32 $0x1C01, s28;
	s10 =	smax.u32 s12, $0x1  }
0xe: {  	s11 =	sshrl.u32 s11, $0x3;
	s12 =	simm.s32 $0x1;
	s30 =	sshrl.u32 s13, $0x3  }
0xf: {  	s9 =	sadd.s32 $0x2B800, s14;
	s13 =	simm.s32 $0x1400;
	s31 =	sadd.s32 s7, s30  }
0x10: {  	s14 =	simm.s32 $0x80;
	s7 =	sadd.s32 s7, s29;
	s8 =	sadd.s32 $0x280, s31  }
.LBB2_1:
0x11: {  	[spmem:s11], [sflag:s6] =	dma.local [hbm:s5], $0x2800  }
0x12: {  	_ =	swait.ge [sflag:s12], $0x2800  }
0x13: {  	[sflag:s12] =	ssyncset.done $0x0  }
0x14: {  	[sflag:s12] =	ssyncadd.s32 $0xFFFFD800  }
0x15: {  	[tilespmem:s13], [sflag:$0x1] =	stream.linear.gather [hbm4b:s4+s3], $0x4000, $0x38;
	[tilespmem:$0x19400] =	vst v63  }
0x16: {  	_ =	swait.ge [sflag:s12], $0x4000  }
0x17: {  	[sflag:s12] =	ssyncset.done $0x0  }
0x18: {  	[sflag:s12] =	ssyncadd.s32 $0xFFFFC000  }
0x19: {  	[bflag:$0x0] =	sbarrier.arrive $0xFFFF  }
0x1a: {  	[tilespmem:s3], [sflag:$0x1] =	stream.linear.gather [hbm4b:s7+s3], $0x1400, $0x38;
	[tilespmem:$0x19400] =	vst v63  }
0x1b: {  	_ =	swait.ge [sflag:s12], $0x1400  }
0x1c: {  	[sflag:s12] =	ssyncset.done $0x0  }
0x1d: {  	s16 =	simm.s32 $0x0;
	[sflag:s12] =	ssyncadd.s32 $0xFFFFEC00  }
0x1e: {  	[spmem:s2] =	stream.indirect.scatter.add.f32 [tilespmem:s13], [sflag:$0x1], $0x80, s16, s14, $0xb8;
	[tilespmem:$0x19400] =	vst v63  }
0x1f: {  	_ =	swait.ge [sflag:s12], $0x4000  }
0x20: {  	s16 =	simm.s32 $0x200;
	[sflag:s12] =	ssyncset.done $0x0  }
.LBB2_2:
0x21: {  	s17 =	sshra.s32 s16, $0x2;
	[sflag:s12] =	ssyncadd.s32 $0xFFFFC000;
	p0 =	sne.s32 s16, $0x4E00  }
0x22: {  	[spmem:s2] =	stream.indirect.scatter.add.f32 [tilespmem:s13], [sflag:$0x1], $0x80, s17, s14, $0xb8;
	[tilespmem:$0x19400] =	vst v63  }
.Ltmp0:
0x23: {  	_ = 	snop;
	(pc) =	sbr.rel @p0 .LBB2_2-.Ltmp0, $4  }
0x24: {  	_ = 	snop  }
0x25: {  	s16 =	sadd.s32 $0x200, s16  }
0x26: {  	_ =	swait.ge [sflag:s12], $0x4000  }
0x27: {  	[sflag:s12] =	ssyncset.done $0x0  }
0x28: {  	[sflag:s12] =	ssyncadd.s32 $0xFFFFC000;
	s16 =	simm.s32 $0x0  }
0x29: {  	[tilespmem:s16], [sflag:$0x1] =	stream.linear.gather [hbm4b:s8+s16], $0x1400, $0x38;
	[tilespmem:$0x19400] =	vst v63  }
0x2a: {  	_ =	swait.ge [sflag:s12], $0x1400  }
0x2b: {  	[sflag:s12] =	ssyncset.done $0x0  }
0x2c: {  	s31 =	simm.s32 $0x0;
	[sflag:s12] =	ssyncadd.s32 $0xFFFFEC00  }
0x2d: {  	[spmem:s2] =	stream.indirect.scatter.add.f32 [tilespmem:s13], [sflag:$0x1], $0x80, s31, s14, $0xb8;
	[tilespmem:$0x19400] =	vst v63  }
0x2e: {  	_ =	swait.ge [sflag:s12], $0x4000  }
0x2f: {  	s16 =	simm.s32 $0x200;
	[sflag:s12] =	ssyncset.done $0x0  }
.LBB2_4:
0x30: {  	s17 =	sshra.s32 s16, $0x2;
	[sflag:s12] =	ssyncadd.s32 $0xFFFFC000;
	p0 =	sne.s32 s16, $0x4E00  }
0x31: {  	[spmem:s2] =	stream.indirect.scatter.add.f32 [tilespmem:s13], [sflag:$0x1], $0x80, s17, s14, $0xb8;
	[tilespmem:$0x19400] =	vst v63  }
.Ltmp1:
0x32: {  	_ = 	snop;
	(pc) =	sbr.rel @p0 .LBB2_4-.Ltmp1, $4  }
0x33: {  	_ = 	snop  }
0x34: {  	s16 =	sadd.s32 $0x200, s16  }
0x35: {  	_ =	swait.ge [sflag:s12], $0x4000  }
0x36: {  	[sflag:s12] =	ssyncset.done $0x0  }
0x37: {  	s15 =	sadd.s32 $0x1, s15  }
0x38: {  	[sflag:s12] =	ssyncadd.s32 $0xFFFFC000;
	p0 =	sne.s32 s15, s10  }
.Ltmp2:
0x39: {  	[bflag:$0x0] =	sbarrier.arrive $0xFFFF;
	(pc) =	sbr.rel @p0 .LBB2_1-.Ltmp2, $4  }
0x3a: {  	[hbm:s9], [sflag:s6] =	dma.local [spmem:s11], $0x2800  }
0x3b: {  	_ =	swait.ge [sflag:s12], $0x2800  }
0x3c: {  	[sflag:s12] =	ssyncset.done $0x0  }
0x3d: {  	[sflag:s12] =	ssyncadd.s32 $0xFFFFD800  }
0x3e: {  	_ =	sfence.sel $0x180000  }
0x3f: {  	[bflag:$0x0] =	sbarrier.arrive $0xFFFF  }
0x40: {  	p0 =	sne.s32 s1, $0x0;
	_ =	strace $0x90000047  }
0x41: {  	s0 =	sadd.s32 @!p0 $0x100000, s0;
	[bflag:$0x2] =	sbarrier.arrive $0xFFFF  }
0x42: {  	[sflag:s0] =	ssyncadd.tile.s32 @!p0 $0x1;
	_ =	shalt  }
.Lfunc_end2:
_tile_overlayer_lowered:
.L_overlay_start_2:
0x43: {  	(tag) =	ssettag $0x2  }
0x44: {  	s0 =	rddreg [dreg:$0x0];
	s2 =	stileid.u32  }
0x45: {  	s1 =	rddreg [dreg:$0x1];
	p0 =	sne.s32 s2, $0x0  }
0x46: {  	s3 =	rddreg [dreg:$0x2];
	[bflag:$0x3] =	sbarrier.arrive $0xFFFF;
	s2 =	simm.s32 @!p0 $0x1C01  }
0x47: {  	[timem:s3], [sflag:s2] =	dma.local @!p0 [hbm:s0], s1  }
0x48: {  	s0 =	simm.s32 @!p0 $0x1  }
0x49: {  	_ =	swait.ge @!p0 [sflag:s0], s1  }
0x4a: {  	s1 =	ssub.s32 @!p0 $0x0, s1;
	[sflag:s0] =	ssyncset.done @!p0 $0x0  }
0x4b: {  	[sflag:s0] =	ssyncadd.s32 @!p0 s1  }
0x4c: {  	[bflag:$0x3] =	sbarrier.arrive $0xFFFF  }
0x4d: {  	_ =	shalt  }

</sc_bundles>
